<compile_context>
chip_gen: v7x
topology: tpu7x:2x2x1
jax: 0.10.2.dev20260603
libtpu: 0.0.44.dev20260713+nightly
codegen_flags: <defaults>
</compile_context>

<pallas_src>
import functools

import jax
import jax.numpy as jnp
from jax import lax
from jax.experimental import pallas as pl
from jax.experimental.pallas import tpu as pltpu
from jax.experimental.pallas import tpu_sc as plsc

_NW = 32
_ROWS = 49152
_RPW = _ROWS // _NW
_C = 32
_NBUF = 3
_NCH = _RPW // _C
_D = 1024
_R0 = 0
_R1 = 16385


def _sc_body(y_hbm, m_hbm, o_hbm, buf, fbuf, mbuf, gsem, ssem):
    wid = lax.axis_index("s") * 2 + lax.axis_index("c")
    base = wid * _RPW

    def g_copy(ci, slot):
        return pltpu.make_async_copy(
            y_hbm.at[pl.ds(base + ci * _C, _C), :], buf.at[slot], gsem
        )

    def s_copy(ci, slot):
        return pltpu.make_async_copy(
            buf.at[slot], o_hbm.at[pl.ds(base + ci * _C, _C), :], ssem
        )

    g_copy(0, 0).start()

    def chunk_group(k, _):
        for b in range(_NBUF):
            ci = _NBUF * k + b
            slot = b

            @pl.when(ci >= _NBUF - 1)
            def _():
                s_copy(ci - (_NBUF - 1), (ci + 1) % _NBUF).wait()

            @pl.when(ci + 1 < _NCH)
            def _():
                g_copy(ci + 1, (ci + 1) % _NBUF).start()

            g_copy(ci, slot).wait()
            s_copy(ci, slot).start()
        return _

    lax.fori_loop(0, _NCH // _NBUF, chunk_group, None)
    for ci in range(_NCH - (_NBUF - 1), _NCH):
        s_copy(ci, ci % _NBUF).wait()

    for owner, band, moff in ((_R0 // _RPW, (_R0 // 8) * 8, 0), (_R1 // _RPW, (_R1 // 8) * 8, 8)):
        @pl.when(wid == owner)
        def _():
            pltpu.sync_copy(o_hbm.at[pl.ds(band, 8), :], fbuf)
            pltpu.sync_copy(m_hbm.at[pl.ds(moff, 8), :], mbuf)
            for r in range(8):
                def add16(j, _):
                    sl = pl.ds(j * 16, 16)
                    fbuf[r, sl] = fbuf[r, sl] + mbuf[r, sl]
                    return _
                lax.fori_loop(0, _D // 16, add16, None)
            pltpu.sync_copy(fbuf, o_hbm.at[pl.ds(band, 8), :])


@functools.partial(jax.jit, static_argnums=())
def _sc_call(y, m):
    mesh = plsc.VectorSubcoreMesh(core_axis_name="c", subcore_axis_name="s")
    return pl.kernel(
        _sc_body,
        out_type=jax.ShapeDtypeStruct((_ROWS, _D), jnp.float32),
        mesh=mesh,
        scratch_types=[
            pltpu.VMEM((_NBUF, _C, _D), jnp.float32),
            pltpu.VMEM((8, _D), jnp.float32),
            pltpu.VMEM((8, _D), jnp.float32),
            pltpu.SemaphoreType.DMA,
            pltpu.SemaphoreType.DMA,
        ],
    )(y, m)


def kernel(x):
    n, s, d = x.shape
    y = jnp.transpose(x, (1, 0, 2)).reshape(s * n, d)
    m = (
        jnp.zeros((16, d), jnp.float32)
        .at[_R0 % 8, :].set(1.0)
        .at[8 + _R1 % 8, :].set(1.0)
    )
    out = _sc_call(y, m)
    return jnp.transpose(out.reshape(s, n, d), (1, 0, 2))

# --- scband reference (transcript-rebuilt; emitter-appended) ---
"""Pipeline reference for scband-my-model-61933428414568 (READ-ONLY COPY).

The authoritative reference and input builder live on the scoring server;
editing this copy changes nothing except your own understanding.
"""

import jax, jax.numpy as jnp
import numpy as np


def setup_inputs(seed: int = 0) -> dict:
    key = jax.random.key(seed)
    x = jax.random.normal(key, (16384, 3, 1024), dtype=jnp.float32)
    return {"x": x}


def reference(x):
    # Mirror torch.ops.aten.index_put_(x, [i1, i2_bool, None], 1.0, accumulate=True)
    # i1 = [0, 1] (long); i2 = [True, True, False] (bool) -> nonzero -> [0, 1]
    # Broadcast of the two index tensors gives pairs (0,0) and (1,1); last dim is full slice.
    i1 = jnp.array([0, 1], dtype=jnp.int32)
    i2_mask = jnp.array([True, True, False])
    i2 = jnp.nonzero(i2_mask, size=2)[0].astype(jnp.int32)
    v = jnp.float32(1.0)
    out = x.at[i1, i2, :].add(v)
    return out

if __name__ == "__main__":
    import jax
    _d = setup_inputs()
    print(jax.jit(kernel)(*tuple(_d.values())))

</pallas_src>

<mosaic_0001>
#map = affine_map<(d0, d1) -> (0, 0)>
module attributes {stable_mosaic.version = 14 : i64} {
  func.func @_sc_body(%arg0: i32, %arg1: i32, %arg2: memref<49152x1024xf32, #tpu.memory_space<hbm>>, %arg3: memref<16x1024xf32, #tpu.memory_space<hbm>>, %arg4: memref<49152x1024xf32, #tpu.memory_space<hbm>>, %arg5: memref<3x32x1024xf32, #tpu.memory_space<vmem>>, %arg6: memref<8x1024xf32, #tpu.memory_space<vmem>>, %arg7: memref<8x1024xf32, #tpu.memory_space<vmem>>, %arg8: memref<!tpu.dma_semaphore, #tpu.memory_space<semaphore_mem>>, %arg9: memref<!tpu.dma_semaphore, #tpu.memory_space<semaphore_mem>>) attributes {dimension_semantics = [#tpu.dimension_semantics<core_parallel>, #tpu.dimension_semantics<subcore_parallel>], iteration_bounds = array<i64: 2, 16>, scalar_prefetch = 0 : i64, scratch_operands = 5 : i64, tpu.core_type = #tpu.core_type<sc_vector_subcore>, window_params = [{transform_indices = #map}, {transform_indices = #map}, {transform_indices = #map}]} {
    %mul3A = arith.constant 2 : i32
    %mul3A_0 = arith.muli %arg1, %mul3A : i32
    %add3A = arith.addi %mul3A_0, %arg0 : i32
    %mul3A_1 = arith.constant 1536 : i32
    %mul3A_2 = arith.muli %add3A, %mul3A_1 : i32
    %add3A_3 = arith.constant 0 : i32
    %add3A_4 = arith.addi %mul3A_2, %add3A_3 : i32
    %dma_start3A = arith.constant 0 : i32
    %dma_start3A_5 = arith.constant 0 : i32
    %dma_start3A_6 = arith.constant 0 : i32
    %dma_start3A_7 = tpu.memref_slice %arg5[%dma_start3A, %dma_start3A_5, %dma_start3A_6] : memref<3x32x1024xf32, #tpu.memory_space<vmem>> -> memref<1x32x1024xf32, #tpu.memory_space<vmem>>
    %dma_start3A_8 = tpu.memref_squeeze %dma_start3A_7 : memref<1x32x1024xf32, #tpu.memory_space<vmem>> -> memref<32x1024xf32, #tpu.memory_space<vmem>>
    %dma_start3A_9 = arith.constant 0 : i32
    %dma_start3A_10 = tpu.memref_slice %arg2[%add3A_4, %dma_start3A_9] : memref<49152x1024xf32, #tpu.memory_space<hbm>> -> memref<32x1024xf32, #tpu.memory_space<hbm>>
    %dma_start3A_11 = arith.constant 0 : i32
    %dma_start3A_12 = arith.constant 0 : i32
    %dma_start3A_13 = tpu.memref_slice %arg5[%dma_start3A, %dma_start3A_11, %dma_start3A_12] : memref<3x32x1024xf32, #tpu.memory_space<vmem>> -> memref<1x32x1024xf32, #tpu.memory_space<vmem>>
    %dma_start3A_14 = tpu.memref_squeeze %dma_start3A_13 : memref<1x32x1024xf32, #tpu.memory_space<vmem>> -> memref<32x1024xf32, #tpu.memory_space<vmem>>
    %dma_start3A_15 = arith.constant 0 : i32
    %dma_start3A_16 = tpu.memref_slice %arg2[%add3A_4, %dma_start3A_15] : memref<49152x1024xf32, #tpu.memory_space<hbm>> -> memref<32x1024xf32, #tpu.memory_space<hbm>>
    tpu.enqueue_dma source(%dma_start3A_16 : memref<32x1024xf32, #tpu.memory_space<hbm>>) target(%dma_start3A_14 : memref<32x1024xf32, #tpu.memory_space<vmem>>) target_semaphore(%arg8 : memref<!tpu.dma_semaphore, #tpu.memory_space<semaphore_mem>>)
    %scan3A = arith.constant 0 : i32
    %scan3A_17 = arith.constant 16 : i32
    %scan3A_18 = arith.addi %scan3A, %scan3A_17 : i32
    %scan3A_19 = arith.constant 1 : i32
    scf.for %scan3A_57 = %scan3A to %scan3A_18 step %scan3A_19  : i32 {
      %mul3A_58 = arith.constant 3 : i32
      %mul3A_59 = arith.muli %mul3A_58, %scan3A_57 : i32
      %add3A_60 = arith.constant 0 : i32
      %add3A_61 = arith.addi %mul3A_59, %add3A_60 : i32
      %ge3A = arith.constant 2 : i32
      %ge3A_62 = arith.cmpi sge, %add3A_61, %ge3A : i32
      %convert_element_type3A_63 = arith.extui %ge3A_62 : i1 to i32
      %cond3A_64 = arith.constant 0 : i32
      %cond3A_65 = arith.cmpi ne, %convert_element_type3A_63, %cond3A_64 : i32
      scf.if %cond3A_65 {
        %sub3A = arith.constant 2 : i32
        %sub3A_200 = arith.subi %add3A_61, %sub3A : i32
        %add3A_201 = arith.constant 1 : i32
        %add3A_202 = arith.addi %add3A_61, %add3A_201 : i32
        %jit3A = arith.constant 3 : i32
        %eq3A_203 = arith.constant 0 : i32
        %eq3A_204 = arith.cmpi eq, %jit3A, %eq3A_203 : i32
        %jit3A_205 = arith.constant 1 : i32
        %select_n3A = arith.select %eq3A_204, %jit3A_205, %jit3A : i32
        %rem3A = arith.remsi %add3A_202, %select_n3A : i32
        %ne3A = arith.constant 0 : i32
        %ne3A_206 = arith.cmpi ne, %rem3A, %ne3A : i32
        %lt3A_207 = arith.constant 0 : i32
        %lt3A_208 = arith.cmpi slt, %rem3A, %lt3A_207 : i32
        %lt3A_209 = arith.constant 0 : i32
        %lt3A_210 = arith.cmpi slt, %select_n3A, %lt3A_209 : i32
        %ne3A_211 = arith.xori %lt3A_208, %lt3A_210 : i1
        %and3A = arith.andi %ne3A_211, %ne3A_206 : i1
        %add3A_212 = arith.addi %rem3A, %select_n3A : i32
        %select_n3A_213 = arith.select %and3A, %add3A_212, %rem3A : i32
        %mul3A_214 = arith.constant 32 : i32
        %mul3A_215 = arith.muli %sub3A_200, %mul3A_214 : i32
        %add3A_216 = arith.addi %mul3A_2, %mul3A_215 : i32
        %dma_wait3A_217 = arith.constant 0 : i32
        %dma_wait3A_218 = arith.constant 0 : i32
        %dma_wait3A_219 = tpu.memref_slice %arg5[%select_n3A_213, %dma_wait3A_217, %dma_wait3A_218] : memref<3x32x1024xf32, #tpu.memory_space<vmem>> -> memref<1x32x1024xf32, #tpu.memory_space<vmem>>
        %dma_wait3A_220 = tpu.memref_squeeze %dma_wait3A_219 : memref<1x32x1024xf32, #tpu.memory_space<vmem>> -> memref<32x1024xf32, #tpu.memory_space<vmem>>
        %dma_wait3A_221 = arith.constant 0 : i32
        %dma_wait3A_222 = tpu.memref_slice %arg4[%add3A_216, %dma_wait3A_221] : memref<49152x1024xf32, #tpu.memory_space<hbm>> -> memref<32x1024xf32, #tpu.memory_space<hbm>>
        %dma_wait3A_223 = arith.constant 0 : i32
        %dma_wait3A_224 = tpu.memref_slice %arg4[%add3A_216, %dma_wait3A_223] : memref<49152x1024xf32, #tpu.memory_space<hbm>> -> memref<32x1024xf32, #tpu.memory_space<hbm>>
        %dma_wait3A_225 = arith.constant 0 : i32
        %dma_wait3A_226 = arith.constant 0 : i32
        %dma_wait3A_227 = tpu.memref_slice %arg5[%select_n3A_213, %dma_wait3A_225, %dma_wait3A_226] : memref<3x32x1024xf32, #tpu.memory_space<vmem>> -> memref<1x32x1024xf32, #tpu.memory_space<vmem>>
        %dma_wait3A_228 = tpu.memref_squeeze %dma_wait3A_227 : memref<1x32x1024xf32, #tpu.memory_space<vmem>> -> memref<32x1024xf32, #tpu.memory_space<vmem>>
        tpu.wait_dma2 semaphore(%arg9 : memref<!tpu.dma_semaphore, #tpu.memory_space<semaphore_mem>>) src(%dma_wait3A_228 : memref<32x1024xf32, #tpu.memory_space<vmem>>) dst(%dma_wait3A_224 : memref<32x1024xf32, #tpu.memory_space<hbm>>)
      } else {
      }
      %add3A_66 = arith.constant 1 : i32
      %add3A_67 = arith.addi %add3A_61, %add3A_66 : i32
      %lt3A = arith.constant 48 : i32
      %lt3A_68 = arith.cmpi slt, %add3A_67, %lt3A : i32
      %convert_element_type3A_69 = arith.extui %lt3A_68 : i1 to i32
      %cond3A_70 = arith.constant 0 : i32
      %cond3A_71 = arith.cmpi ne, %convert_element_type3A_69, %cond3A_70 : i32
      scf.if %cond3A_71 {
        %add3A_200 = arith.constant 1 : i32
        %add3A_201 = arith.addi %add3A_61, %add3A_200 : i32
        %add3A_202 = arith.constant 1 : i32
        %add3A_203 = arith.addi %add3A_61, %add3A_202 : i32
        %jit3A = arith.constant 3 : i32
        %eq3A_204 = arith.constant 0 : i32
        %eq3A_205 = arith.cmpi eq, %jit3A, %eq3A_204 : i32
        %jit3A_206 = arith.constant 1 : i32
        %select_n3A = arith.select %eq3A_205, %jit3A_206, %jit3A : i32
        %rem3A = arith.remsi %add3A_203, %select_n3A : i32
        %ne3A = arith.constant 0 : i32
        %ne3A_207 = arith.cmpi ne, %rem3A, %ne3A : i32
        %lt3A_208 = arith.constant 0 : i32
        %lt3A_209 = arith.cmpi slt, %rem3A, %lt3A_208 : i32
        %lt3A_210 = arith.constant 0 : i32
        %lt3A_211 = arith.cmpi slt, %select_n3A, %lt3A_210 : i32
        %ne3A_212 = arith.xori %lt3A_209, %lt3A_211 : i1
        %and3A = arith.andi %ne3A_212, %ne3A_207 : i1
        %add3A_213 = arith.addi %rem3A, %select_n3A : i32
        %select_n3A_214 = arith.select %and3A, %add3A_213, %rem3A : i32
        %mul3A_215 = arith.constant 32 : i32
        %mul3A_216 = arith.muli %add3A_201, %mul3A_215 : i32
        %add3A_217 = arith.addi %mul3A_2, %mul3A_216 : i32
        %dma_start3A_218 = arith.constant 0 : i32
        %dma_start3A_219 = arith.constant 0 : i32
        %dma_start3A_220 = tpu.memref_slice %arg5[%select_n3A_214, %dma_start3A_218, %dma_start3A_219] : memref<3x32x1024xf32, #tpu.memory_space<vmem>> -> memref<1x32x1024xf32, #tpu.memory_space<vmem>>
        %dma_start3A_221 = tpu.memref_squeeze %dma_start3A_220 : memref<1x32x1024xf32, #tpu.memory_space<vmem>> -> memref<32x1024xf32, #tpu.memory_space<vmem>>
        %dma_start3A_222 = arith.constant 0 : i32
        %dma_start3A_223 = tpu.memref_slice %arg2[%add3A_217, %dma_start3A_222] : memref<49152x1024xf32, #tpu.memory_space<hbm>> -> memref<32x1024xf32, #tpu.memory_space<hbm>>
        %dma_start3A_224 = arith.constant 0 : i32
        %dma_start3A_225 = arith.constant 0 : i32
        %dma_start3A_226 = tpu.memref_slice %arg5[%select_n3A_214, %dma_start3A_224, %dma_start3A_225] : memref<3x32x1024xf32, #tpu.memory_space<vmem>> -> memref<1x32x1024xf32, #tpu.memory_space<vmem>>
        %dma_start3A_227 = tpu.memref_squeeze %dma_start3A_226 : memref<1x32x1024xf32, #tpu.memory_space<vmem>> -> memref<32x1024xf32, #tpu.memory_space<vmem>>
        %dma_start3A_228 = arith.constant 0 : i32
        %dma_start3A_229 = tpu.memref_slice %arg2[%add3A_217, %dma_start3A_228] : memref<49152x1024xf32, #tpu.memory_space<hbm>> -> memref<32x1024xf32, #tpu.memory_space<hbm>>
        tpu.enqueue_dma source(%dma_start3A_229 : memref<32x1024xf32, #tpu.memory_space<hbm>>) target(%dma_start3A_227 : memref<32x1024xf32, #tpu.memory_space<vmem>>) target_semaphore(%arg8 : memref<!tpu.dma_semaphore, #tpu.memory_space<semaphore_mem>>)
      } else {
      }
      %mul3A_72 = arith.constant 32 : i32
      %mul3A_73 = arith.muli %add3A_61, %mul3A_72 : i32
      %add3A_74 = arith.addi %mul3A_2, %mul3A_73 : i32
      %dma_wait3A_75 = arith.constant 0 : i32
      %dma_wait3A_76 = arith.constant 0 : i32
      %dma_wait3A_77 = arith.constant 0 : i32
      %dma_wait3A_78 = tpu.memref_slice %arg5[%dma_wait3A_75, %dma_wait3A_76, %dma_wait3A_77] : memref<3x32x1024xf32, #tpu.memory_space<vmem>> -> memref<1x32x1024xf32, #tpu.memory_space<vmem>>
      %dma_wait3A_79 = tpu.memref_squeeze %dma_wait3A_78 : memref<1x32x1024xf32, #tpu.memory_space<vmem>> -> memref<32x1024xf32, #tpu.memory_space<vmem>>
      %dma_wait3A_80 = arith.constant 0 : i32
      %dma_wait3A_81 = tpu.memref_slice %arg2[%add3A_74, %dma_wait3A_80] : memref<49152x1024xf32, #tpu.memory_space<hbm>> -> memref<32x1024xf32, #tpu.memory_space<hbm>>
      %dma_wait3A_82 = arith.constant 0 : i32
      %dma_wait3A_83 = arith.constant 0 : i32
      %dma_wait3A_84 = tpu.memref_slice %arg5[%dma_wait3A_75, %dma_wait3A_82, %dma_wait3A_83] : memref<3x32x1024xf32, #tpu.memory_space<vmem>> -> memref<1x32x1024xf32, #tpu.memory_space<vmem>>
      %dma_wait3A_85 = tpu.memref_squeeze %dma_wait3A_84 : memref<1x32x1024xf32, #tpu.memory_space<vmem>> -> memref<32x1024xf32, #tpu.memory_space<vmem>>
      %dma_wait3A_86 = arith.constant 0 : i32
      %dma_wait3A_87 = tpu.memref_slice %arg2[%add3A_74, %dma_wait3A_86] : memref<49152x1024xf32, #tpu.memory_space<hbm>> -> memref<32x1024xf32, #tpu.memory_space<hbm>>
      tpu.wait_dma2 semaphore(%arg8 : memref<!tpu.dma_semaphore, #tpu.memory_space<semaphore_mem>>) src(%dma_wait3A_87 : memref<32x1024xf32, #tpu.memory_space<hbm>>) dst(%dma_wait3A_85 : memref<32x1024xf32, #tpu.memory_space<vmem>>)
      %mul3A_88 = arith.constant 32 : i32
      %mul3A_89 = arith.muli %add3A_61, %mul3A_88 : i32
      %add3A_90 = arith.addi %mul3A_2, %mul3A_89 : i32
      %dma_start3A_91 = arith.constant 0 : i32
      %dma_start3A_92 = arith.constant 0 : i32
      %dma_start3A_93 = arith.constant 0 : i32
      %dma_start3A_94 = tpu.memref_slice %arg5[%dma_start3A_91, %dma_start3A_92, %dma_start3A_93] : memref<3x32x1024xf32, #tpu.memory_space<vmem>> -> memref<1x32x1024xf32, #tpu.memory_space<vmem>>
      %dma_start3A_95 = tpu.memref_squeeze %dma_start3A_94 : memref<1x32x1024xf32, #tpu.memory_space<vmem>> -> memref<32x1024xf32, #tpu.memory_space<vmem>>
      %dma_start3A_96 = arith.constant 0 : i32
      %dma_start3A_97 = tpu.memref_slice %arg4[%add3A_90, %dma_start3A_96] : memref<49152x1024xf32, #tpu.memory_space<hbm>> -> memref<32x1024xf32, #tpu.memory_space<hbm>>
      %dma_start3A_98 = arith.constant 0 : i32
      %dma_start3A_99 = tpu.memref_slice %arg4[%add3A_90, %dma_start3A_98] : memref<49152x1024xf32, #tpu.memory_space<hbm>> -> memref<32x1024xf32, #tpu.memory_space<hbm>>
      %dma_start3A_100 = arith.constant 0 : i32
      %dma_start3A_101 = arith.constant 0 : i32
      %dma_start3A_102 = tpu.memref_slice %arg5[%dma_start3A_91, %dma_start3A_100, %dma_start3A_101] : memref<3x32x1024xf32, #tpu.memory_space<vmem>> -> memref<1x32x1024xf32, #tpu.memory_space<vmem>>
      %dma_start3A_103 = tpu.memref_squeeze %dma_start3A_102 : memref<1x32x1024xf32, #tpu.memory_space<vmem>> -> memref<32x1024xf32, #tpu.memory_space<vmem>>
      tpu.enqueue_dma source(%dma_start3A_103 : memref<32x1024xf32, #tpu.memory_space<vmem>>) target(%dma_start3A_99 : memref<32x1024xf32, #tpu.memory_space<hbm>>) target_semaphore(%arg9 : memref<!tpu.dma_semaphore, #tpu.memory_space<semaphore_mem>>)
      %mul3A_104 = arith.constant 3 : i32
      %mul3A_105 = arith.muli %mul3A_104, %scan3A_57 : i32
      %add3A_106 = arith.constant 1 : i32
      %add3A_107 = arith.addi %mul3A_105, %add3A_106 : i32
      %ge3A_108 = arith.constant 2 : i32
      %ge3A_109 = arith.cmpi sge, %add3A_107, %ge3A_108 : i32
      %convert_element_type3A_110 = arith.extui %ge3A_109 : i1 to i32
      %cond3A_111 = arith.constant 0 : i32
      %cond3A_112 = arith.cmpi ne, %convert_element_type3A_110, %cond3A_111 : i32
      scf.if %cond3A_112 {
        %sub3A = arith.constant 2 : i32
        %sub3A_200 = arith.subi %add3A_107, %sub3A : i32
        %add3A_201 = arith.constant 1 : i32
        %add3A_202 = arith.addi %add3A_107, %add3A_201 : i32
        %jit3A = arith.constant 3 : i32
        %eq3A_203 = arith.constant 0 : i32
        %eq3A_204 = arith.cmpi eq, %jit3A, %eq3A_203 : i32
        %jit3A_205 = arith.constant 1 : i32
        %select_n3A = arith.select %eq3A_204, %jit3A_205, %jit3A : i32
        %rem3A = arith.remsi %add3A_202, %select_n3A : i32
        %ne3A = arith.constant 0 : i32
        %ne3A_206 = arith.cmpi ne, %rem3A, %ne3A : i32
        %lt3A_207 = arith.constant 0 : i32
        %lt3A_208 = arith.cmpi slt, %rem3A, %lt3A_207 : i32
        %lt3A_209 = arith.constant 0 : i32
        %lt3A_210 = arith.cmpi slt, %select_n3A, %lt3A_209 : i32
        %ne3A_211 = arith.xori %lt3A_208, %lt3A_210 : i1
        %and3A = arith.andi %ne3A_211, %ne3A_206 : i1
        %add3A_212 = arith.addi %rem3A, %select_n3A : i32
        %select_n3A_213 = arith.select %and3A, %add3A_212, %rem3A : i32
        %mul3A_214 = arith.constant 32 : i32
        %mul3A_215 = arith.muli %sub3A_200, %mul3A_214 : i32
        %add3A_216 = arith.addi %mul3A_2, %mul3A_215 : i32
        %dma_wait3A_217 = arith.constant 0 : i32
        %dma_wait3A_218 = arith.constant 0 : i32
        %dma_wait3A_219 = tpu.memref_slice %arg5[%select_n3A_213, %dma_wait3A_217, %dma_wait3A_218] : memref<3x32x1024xf32, #tpu.memory_space<vmem>> -> memref<1x32x1024xf32, #tpu.memory_space<vmem>>
        %dma_wait3A_220 = tpu.memref_squeeze %dma_wait3A_219 : memref<1x32x1024xf32, #tpu.memory_space<vmem>> -> memref<32x1024xf32, #tpu.memory_space<vmem>>
        %dma_wait3A_221 = arith.constant 0 : i32
        %dma_wait3A_222 = tpu.memref_slice %arg4[%add3A_216, %dma_wait3A_221] : memref<49152x1024xf32, #tpu.memory_space<hbm>> -> memref<32x1024xf32, #tpu.memory_space<hbm>>
        %dma_wait3A_223 = arith.constant 0 : i32
        %dma_wait3A_224 = tpu.memref_slice %arg4[%add3A_216, %dma_wait3A_223] : memref<49152x1024xf32, #tpu.memory_space<hbm>> -> memref<32x1024xf32, #tpu.memory_space<hbm>>
        %dma_wait3A_225 = arith.constant 0 : i32
        %dma_wait3A_226 = arith.constant 0 : i32
        %dma_wait3A_227 = tpu.memref_slice %arg5[%select_n3A_213, %dma_wait3A_225, %dma_wait3A_226] : memref<3x32x1024xf32, #tpu.memory_space<vmem>> -> memref<1x32x1024xf32, #tpu.memory_space<vmem>>
        %dma_wait3A_228 = tpu.memref_squeeze %dma_wait3A_227 : memref<1x32x1024xf32, #tpu.memory_space<vmem>> -> memref<32x1024xf32, #tpu.memory_space<vmem>>
        tpu.wait_dma2 semaphore(%arg9 : memref<!tpu.dma_semaphore, #tpu.memory_space<semaphore_mem>>) src(%dma_wait3A_228 : memref<32x1024xf32, #tpu.memory_space<vmem>>) dst(%dma_wait3A_224 : memref<32x1024xf32, #tpu.memory_space<hbm>>)
      } else {
      }
      %add3A_113 = arith.constant 1 : i32
      %add3A_114 = arith.addi %add3A_107, %add3A_113 : i32
      %lt3A_115 = arith.constant 48 : i32
      %lt3A_116 = arith.cmpi slt, %add3A_114, %lt3A_115 : i32
      %convert_element_type3A_117 = arith.extui %lt3A_116 : i1 to i32
      %cond3A_118 = arith.constant 0 : i32
      %cond3A_119 = arith.cmpi ne, %convert_element_type3A_117, %cond3A_118 : i32
      scf.if %cond3A_119 {
        %add3A_200 = arith.constant 1 : i32
        %add3A_201 = arith.addi %add3A_107, %add3A_200 : i32
        %add3A_202 = arith.constant 1 : i32
        %add3A_203 = arith.addi %add3A_107, %add3A_202 : i32
        %jit3A = arith.constant 3 : i32
        %eq3A_204 = arith.constant 0 : i32
        %eq3A_205 = arith.cmpi eq, %jit3A, %eq3A_204 : i32
        %jit3A_206 = arith.constant 1 : i32
        %select_n3A = arith.select %eq3A_205, %jit3A_206, %jit3A : i32
        %rem3A = arith.remsi %add3A_203, %select_n3A : i32
        %ne3A = arith.constant 0 : i32
        %ne3A_207 = arith.cmpi ne, %rem3A, %ne3A : i32
        %lt3A_208 = arith.constant 0 : i32
        %lt3A_209 = arith.cmpi slt, %rem3A, %lt3A_208 : i32
        %lt3A_210 = arith.constant 0 : i32
        %lt3A_211 = arith.cmpi slt, %select_n3A, %lt3A_210 : i32
        %ne3A_212 = arith.xori %lt3A_209, %lt3A_211 : i1
        %and3A = arith.andi %ne3A_212, %ne3A_207 : i1
        %add3A_213 = arith.addi %rem3A, %select_n3A : i32
        %select_n3A_214 = arith.select %and3A, %add3A_213, %rem3A : i32
        %mul3A_215 = arith.constant 32 : i32
        %mul3A_216 = arith.muli %add3A_201, %mul3A_215 : i32
        %add3A_217 = arith.addi %mul3A_2, %mul3A_216 : i32
        %dma_start3A_218 = arith.constant 0 : i32
        %dma_start3A_219 = arith.constant 0 : i32
        %dma_start3A_220 = tpu.memref_slice %arg5[%select_n3A_214, %dma_start3A_218, %dma_start3A_219] : memref<3x32x1024xf32, #tpu.memory_space<vmem>> -> memref<1x32x1024xf32, #tpu.memory_space<vmem>>
        %dma_start3A_221 = tpu.memref_squeeze %dma_start3A_220 : memref<1x32x1024xf32, #tpu.memory_space<vmem>> -> memref<32x1024xf32, #tpu.memory_space<vmem>>
        %dma_start3A_222 = arith.constant 0 : i32
        %dma_start3A_223 = tpu.memref_slice %arg2[%add3A_217, %dma_start3A_222] : memref<49152x1024xf32, #tpu.memory_space<hbm>> -> memref<32x1024xf32, #tpu.memory_space<hbm>>
        %dma_start3A_224 = arith.constant 0 : i32
        %dma_start3A_225 = arith.constant 0 : i32
        %dma_start3A_226 = tpu.memref_slice %arg5[%select_n3A_214, %dma_start3A_224, %dma_start3A_225] : memref<3x32x1024xf32, #tpu.memory_space<vmem>> -> memref<1x32x1024xf32, #tpu.memory_space<vmem>>
        %dma_start3A_227 = tpu.memref_squeeze %dma_start3A_226 : memref<1x32x1024xf32, #tpu.memory_space<vmem>> -> memref<32x1024xf32, #tpu.memory_space<vmem>>
        %dma_start3A_228 = arith.constant 0 : i32
        %dma_start3A_229 = tpu.memref_slice %arg2[%add3A_217, %dma_start3A_228] : memref<49152x1024xf32, #tpu.memory_space<hbm>> -> memref<32x1024xf32, #tpu.memory_space<hbm>>
        tpu.enqueue_dma source(%dma_start3A_229 : memref<32x1024xf32, #tpu.memory_space<hbm>>) target(%dma_start3A_227 : memref<32x1024xf32, #tpu.memory_space<vmem>>) target_semaphore(%arg8 : memref<!tpu.dma_semaphore, #tpu.memory_space<semaphore_mem>>)
      } else {
      }
      %mul3A_120 = arith.constant 32 : i32
      %mul3A_121 = arith.muli %add3A_107, %mul3A_120 : i32
      %add3A_122 = arith.addi %mul3A_2, %mul3A_121 : i32
      %dma_wait3A_123 = arith.constant 1 : i32
      %dma_wait3A_124 = arith.constant 0 : i32
      %dma_wait3A_125 = arith.constant 0 : i32
      %dma_wait3A_126 = tpu.memref_slice %arg5[%dma_wait3A_123, %dma_wait3A_124, %dma_wait3A_125] : memref<3x32x1024xf32, #tpu.memory_space<vmem>> -> memref<1x32x1024xf32, #tpu.memory_space<vmem>>
      %dma_wait3A_127 = tpu.memref_squeeze %dma_wait3A_126 : memref<1x32x1024xf32, #tpu.memory_space<vmem>> -> memref<32x1024xf32, #tpu.memory_space<vmem>>
      %dma_wait3A_128 = arith.constant 0 : i32
      %dma_wait3A_129 = tpu.memref_slice %arg2[%add3A_122, %dma_wait3A_128] : memref<49152x1024xf32, #tpu.memory_space<hbm>> -> memref<32x1024xf32, #tpu.memory_space<hbm>>
      %dma_wait3A_130 = arith.constant 0 : i32
      %dma_wait3A_131 = arith.constant 0 : i32
      %dma_wait3A_132 = tpu.memref_slice %arg5[%dma_wait3A_123, %dma_wait3A_130, %dma_wait3A_131] : memref<3x32x1024xf32, #tpu.memory_space<vmem>> -> memref<1x32x1024xf32, #tpu.memory_space<vmem>>
      %dma_wait3A_133 = tpu.memref_squeeze %dma_wait3A_132 : memref<1x32x1024xf32, #tpu.memory_space<vmem>> -> memref<32x1024xf32, #tpu.memory_space<vmem>>
      %dma_wait3A_134 = arith.constant 0 : i32
      %dma_wait3A_135 = tpu.memref_slice %arg2[%add3A_122, %dma_wait3A_134] : memref<49152x1024xf32, #tpu.memory_space<hbm>> -> memref<32x1024xf32, #tpu.memory_space<hbm>>
      tpu.wait_dma2 semaphore(%arg8 : memref<!tpu.dma_semaphore, #tpu.memory_space<semaphore_mem>>) src(%dma_wait3A_135 : memref<32x1024xf32, #tpu.memory_space<hbm>>) dst(%dma_wait3A_133 : memref<32x1024xf32, #tpu.memory_space<vmem>>)
      %mul3A_136 = arith.constant 32 : i32
      %mul3A_137 = arith.muli %add3A_107, %mul3A_136 : i32
      %add3A_138 = arith.addi %mul3A_2, %mul3A_137 : i32
      %dma_start3A_139 = arith.constant 1 : i32
      %dma_start3A_140 = arith.constant 0 : i32
      %dma_start3A_141 = arith.constant 0 : i32
      %dma_start3A_142 = tpu.memref_slice %arg5[%dma_start3A_139, %dma_start3A_140, %dma_start3A_141] : memref<3x32x1024xf32, #tpu.memory_space<vmem>> -> memref<1x32x1024xf32, #tpu.memory_space<vmem>>
      %dma_start3A_143 = tpu.memref_squeeze %dma_start3A_142 : memref<1x32x1024xf32, #tpu.memory_space<vmem>> -> memref<32x1024xf32, #tpu.memory_space<vmem>>
      %dma_start3A_144 = arith.constant 0 : i32
      %dma_start3A_145 = tpu.memref_slice %arg4[%add3A_138, %dma_start3A_144] : memref<49152x1024xf32, #tpu.memory_space<hbm>> -> memref<32x1024xf32, #tpu.memory_space<hbm>>
      %dma_start3A_146 = arith.constant 0 : i32
      %dma_start3A_147 = tpu.memref_slice %arg4[%add3A_138, %dma_start3A_146] : memref<49152x1024xf32, #tpu.memory_space<hbm>> -> memref<32x1024xf32, #tpu.memory_space<hbm>>
      %dma_start3A_148 = arith.constant 0 : i32
      %dma_start3A_149 = arith.constant 0 : i32
      %dma_start3A_150 = tpu.memref_slice %arg5[%dma_start3A_139, %dma_start3A_148, %dma_start3A_149] : memref<3x32x1024xf32, #tpu.memory_space<vmem>> -> memref<1x32x1024xf32, #tpu.memory_space<vmem>>
      %dma_start3A_151 = tpu.memref_squeeze %dma_start3A_150 : memref<1x32x1024xf32, #tpu.memory_space<vmem>> -> memref<32x1024xf32, #tpu.memory_space<vmem>>
      tpu.enqueue_dma source(%dma_start3A_151 : memref<32x1024xf32, #tpu.memory_space<vmem>>) target(%dma_start3A_147 : memref<32x1024xf32, #tpu.memory_space<hbm>>) target_semaphore(%arg9 : memref<!tpu.dma_semaphore, #tpu.memory_space<semaphore_mem>>)
      %mul3A_152 = arith.constant 3 : i32
      %mul3A_153 = arith.muli %mul3A_152, %scan3A_57 : i32
      %add3A_154 = arith.constant 2 : i32
      %add3A_155 = arith.addi %mul3A_153, %add3A_154 : i32
      %ge3A_156 = arith.constant 2 : i32
      %ge3A_157 = arith.cmpi sge, %add3A_155, %ge3A_156 : i32
      %convert_element_type3A_158 = arith.extui %ge3A_157 : i1 to i32
      %cond3A_159 = arith.constant 0 : i32
      %cond3A_160 = arith.cmpi ne, %convert_element_type3A_158, %cond3A_159 : i32
      scf.if %cond3A_160 {
        %sub3A = arith.constant 2 : i32
        %sub3A_200 = arith.subi %add3A_155, %sub3A : i32
        %add3A_201 = arith.constant 1 : i32
        %add3A_202 = arith.addi %add3A_155, %add3A_201 : i32
        %jit3A = arith.constant 3 : i32
        %eq3A_203 = arith.constant 0 : i32
        %eq3A_204 = arith.cmpi eq, %jit3A, %eq3A_203 : i32
        %jit3A_205 = arith.constant 1 : i32
        %select_n3A = arith.select %eq3A_204, %jit3A_205, %jit3A : i32
        %rem3A = arith.remsi %add3A_202, %select_n3A : i32
        %ne3A = arith.constant 0 : i32
        %ne3A_206 = arith.cmpi ne, %rem3A, %ne3A : i32
        %lt3A_207 = arith.constant 0 : i32
        %lt3A_208 = arith.cmpi slt, %rem3A, %lt3A_207 : i32
        %lt3A_209 = arith.constant 0 : i32
        %lt3A_210 = arith.cmpi slt, %select_n3A, %lt3A_209 : i32
        %ne3A_211 = arith.xori %lt3A_208, %lt3A_210 : i1
        %and3A = arith.andi %ne3A_211, %ne3A_206 : i1
        %add3A_212 = arith.addi %rem3A, %select_n3A : i32
        %select_n3A_213 = arith.select %and3A, %add3A_212, %rem3A : i32
        %mul3A_214 = arith.constant 32 : i32
        %mul3A_215 = arith.muli %sub3A_200, %mul3A_214 : i32
        %add3A_216 = arith.addi %mul3A_2, %mul3A_215 : i32
        %dma_wait3A_217 = arith.constant 0 : i32
        %dma_wait3A_218 = arith.constant 0 : i32
        %dma_wait3A_219 = tpu.memref_slice %arg5[%select_n3A_213, %dma_wait3A_217, %dma_wait3A_218] : memref<3x32x1024xf32, #tpu.memory_space<vmem>> -> memref<1x32x1024xf32, #tpu.memory_space<vmem>>
        %dma_wait3A_220 = tpu.memref_squeeze %dma_wait3A_219 : memref<1x32x1024xf32, #tpu.memory_space<vmem>> -> memref<32x1024xf32, #tpu.memory_space<vmem>>
        %dma_wait3A_221 = arith.constant 0 : i32
        %dma_wait3A_222 = tpu.memref_slice %arg4[%add3A_216, %dma_wait3A_221] : memref<49152x1024xf32, #tpu.memory_space<hbm>> -> memref<32x1024xf32, #tpu.memory_space<hbm>>
        %dma_wait3A_223 = arith.constant 0 : i32
        %dma_wait3A_224 = tpu.memref_slice %arg4[%add3A_216, %dma_wait3A_223] : memref<49152x1024xf32, #tpu.memory_space<hbm>> -> memref<32x1024xf32, #tpu.memory_space<hbm>>
        %dma_wait3A_225 = arith.constant 0 : i32
        %dma_wait3A_226 = arith.constant 0 : i32
        %dma_wait3A_227 = tpu.memref_slice %arg5[%select_n3A_213, %dma_wait3A_225, %dma_wait3A_226] : memref<3x32x1024xf32, #tpu.memory_space<vmem>> -> memref<1x32x1024xf32, #tpu.memory_space<vmem>>
        %dma_wait3A_228 = tpu.memref_squeeze %dma_wait3A_227 : memref<1x32x1024xf32, #tpu.memory_space<vmem>> -> memref<32x1024xf32, #tpu.memory_space<vmem>>
        tpu.wait_dma2 semaphore(%arg9 : memref<!tpu.dma_semaphore, #tpu.memory_space<semaphore_mem>>) src(%dma_wait3A_228 : memref<32x1024xf32, #tpu.memory_space<vmem>>) dst(%dma_wait3A_224 : memref<32x1024xf32, #tpu.memory_space<hbm>>)
      } else {
      }
      %add3A_161 = arith.constant 1 : i32
      %add3A_162 = arith.addi %add3A_155, %add3A_161 : i32
      %lt3A_163 = arith.constant 48 : i32
      %lt3A_164 = arith.cmpi slt, %add3A_162, %lt3A_163 : i32
      %convert_element_type3A_165 = arith.extui %lt3A_164 : i1 to i32
      %cond3A_166 = arith.constant 0 : i32
      %cond3A_167 = arith.cmpi ne, %convert_element_type3A_165, %cond3A_166 : i32
      scf.if %cond3A_167 {
        %add3A_200 = arith.constant 1 : i32
        %add3A_201 = arith.addi %add3A_155, %add3A_200 : i32
        %add3A_202 = arith.constant 1 : i32
        %add3A_203 = arith.addi %add3A_155, %add3A_202 : i32
        %jit3A = arith.constant 3 : i32
        %eq3A_204 = arith.constant 0 : i32
        %eq3A_205 = arith.cmpi eq, %jit3A, %eq3A_204 : i32
        %jit3A_206 = arith.constant 1 : i32
        %select_n3A = arith.select %eq3A_205, %jit3A_206, %jit3A : i32
        %rem3A = arith.remsi %add3A_203, %select_n3A : i32
        %ne3A = arith.constant 0 : i32
        %ne3A_207 = arith.cmpi ne, %rem3A, %ne3A : i32
        %lt3A_208 = arith.constant 0 : i32
        %lt3A_209 = arith.cmpi slt, %rem3A, %lt3A_208 : i32
        %lt3A_210 = arith.constant 0 : i32
        %lt3A_211 = arith.cmpi slt, %select_n3A, %lt3A_210 : i32
        %ne3A_212 = arith.xori %lt3A_209, %lt3A_211 : i1
        %and3A = arith.andi %ne3A_212, %ne3A_207 : i1
        %add3A_213 = arith.addi %rem3A, %select_n3A : i32
        %select_n3A_214 = arith.select %and3A, %add3A_213, %rem3A : i32
        %mul3A_215 = arith.constant 32 : i32
        %mul3A_216 = arith.muli %add3A_201, %mul3A_215 : i32
        %add3A_217 = arith.addi %mul3A_2, %mul3A_216 : i32
        %dma_start3A_218 = arith.constant 0 : i32
        %dma_start3A_219 = arith.constant 0 : i32
        %dma_start3A_220 = tpu.memref_slice %arg5[%select_n3A_214, %dma_start3A_218, %dma_start3A_219] : memref<3x32x1024xf32, #tpu.memory_space<vmem>> -> memref<1x32x1024xf32, #tpu.memory_space<vmem>>
        %dma_start3A_221 = tpu.memref_squeeze %dma_start3A_220 : memref<1x32x1024xf32, #tpu.memory_space<vmem>> -> memref<32x1024xf32, #tpu.memory_space<vmem>>
        %dma_start3A_222 = arith.constant 0 : i32
        %dma_start3A_223 = tpu.memref_slice %arg2[%add3A_217, %dma_start3A_222] : memref<49152x1024xf32, #tpu.memory_space<hbm>> -> memref<32x1024xf32, #tpu.memory_space<hbm>>
        %dma_start3A_224 = arith.constant 0 : i32
        %dma_start3A_225 = arith.constant 0 : i32
        %dma_start3A_226 = tpu.memref_slice %arg5[%select_n3A_214, %dma_start3A_224, %dma_start3A_225] : memref<3x32x1024xf32, #tpu.memory_space<vmem>> -> memref<1x32x1024xf32, #tpu.memory_space<vmem>>
        %dma_start3A_227 = tpu.memref_squeeze %dma_start3A_226 : memref<1x32x1024xf32, #tpu.memory_space<vmem>> -> memref<32x1024xf32, #tpu.memory_space<vmem>>
        %dma_start3A_228 = arith.constant 0 : i32
        %dma_start3A_229 = tpu.memref_slice %arg2[%add3A_217, %dma_start3A_228] : memref<49152x1024xf32, #tpu.memory_space<hbm>> -> memref<32x1024xf32, #tpu.memory_space<hbm>>
        tpu.enqueue_dma source(%dma_start3A_229 : memref<32x1024xf32, #tpu.memory_space<hbm>>) target(%dma_start3A_227 : memref<32x1024xf32, #tpu.memory_space<vmem>>) target_semaphore(%arg8 : memref<!tpu.dma_semaphore, #tpu.memory_space<semaphore_mem>>)
      } else {
      }
      %mul3A_168 = arith.constant 32 : i32
      %mul3A_169 = arith.muli %add3A_155, %mul3A_168 : i32
      %add3A_170 = arith.addi %mul3A_2, %mul3A_169 : i32
      %dma_wait3A_171 = arith.constant 2 : i32
      %dma_wait3A_172 = arith.constant 0 : i32
      %dma_wait3A_173 = arith.constant 0 : i32
      %dma_wait3A_174 = tpu.memref_slice %arg5[%dma_wait3A_171, %dma_wait3A_172, %dma_wait3A_173] : memref<3x32x1024xf32, #tpu.memory_space<vmem>> -> memref<1x32x1024xf32, #tpu.memory_space<vmem>>
      %dma_wait3A_175 = tpu.memref_squeeze %dma_wait3A_174 : memref<1x32x1024xf32, #tpu.memory_space<vmem>> -> memref<32x1024xf32, #tpu.memory_space<vmem>>
      %dma_wait3A_176 = arith.constant 0 : i32
      %dma_wait3A_177 = tpu.memref_slice %arg2[%add3A_170, %dma_wait3A_176] : memref<49152x1024xf32, #tpu.memory_space<hbm>> -> memref<32x1024xf32, #tpu.memory_space<hbm>>
      %dma_wait3A_178 = arith.constant 0 : i32
      %dma_wait3A_179 = arith.constant 0 : i32
      %dma_wait3A_180 = tpu.memref_slice %arg5[%dma_wait3A_171, %dma_wait3A_178, %dma_wait3A_179] : memref<3x32x1024xf32, #tpu.memory_space<vmem>> -> memref<1x32x1024xf32, #tpu.memory_space<vmem>>
      %dma_wait3A_181 = tpu.memref_squeeze %dma_wait3A_180 : memref<1x32x1024xf32, #tpu.memory_space<vmem>> -> memref<32x1024xf32, #tpu.memory_space<vmem>>
      %dma_wait3A_182 = arith.constant 0 : i32
      %dma_wait3A_183 = tpu.memref_slice %arg2[%add3A_170, %dma_wait3A_182] : memref<49152x1024xf32, #tpu.memory_space<hbm>> -> memref<32x1024xf32, #tpu.memory_space<hbm>>
      tpu.wait_dma2 semaphore(%arg8 : memref<!tpu.dma_semaphore, #tpu.memory_space<semaphore_mem>>) src(%dma_wait3A_183 : memref<32x1024xf32, #tpu.memory_space<hbm>>) dst(%dma_wait3A_181 : memref<32x1024xf32, #tpu.memory_space<vmem>>)
      %mul3A_184 = arith.constant 32 : i32
      %mul3A_185 = arith.muli %add3A_155, %mul3A_184 : i32
      %add3A_186 = arith.addi %mul3A_2, %mul3A_185 : i32
      %dma_start3A_187 = arith.constant 2 : i32
      %dma_start3A_188 = arith.constant 0 : i32
      %dma_start3A_189 = arith.constant 0 : i32
      %dma_start3A_190 = tpu.memref_slice %arg5[%dma_start3A_187, %dma_start3A_188, %dma_start3A_189] : memref<3x32x1024xf32, #tpu.memory_space<vmem>> -> memref<1x32x1024xf32, #tpu.memory_space<vmem>>
      %dma_start3A_191 = tpu.memref_squeeze %dma_start3A_190 : memref<1x32x1024xf32, #tpu.memory_space<vmem>> -> memref<32x1024xf32, #tpu.memory_space<vmem>>
      %dma_start3A_192 = arith.constant 0 : i32
      %dma_start3A_193 = tpu.memref_slice %arg4[%add3A_186, %dma_start3A_192] : memref<49152x1024xf32, #tpu.memory_space<hbm>> -> memref<32x1024xf32, #tpu.memory_space<hbm>>
      %dma_start3A_194 = arith.constant 0 : i32
      %dma_start3A_195 = tpu.memref_slice %arg4[%add3A_186, %dma_start3A_194] : memref<49152x1024xf32, #tpu.memory_space<hbm>> -> memref<32x1024xf32, #tpu.memory_space<hbm>>
      %dma_start3A_196 = arith.constant 0 : i32
      %dma_start3A_197 = arith.constant 0 : i32
      %dma_start3A_198 = tpu.memref_slice %arg5[%dma_start3A_187, %dma_start3A_196, %dma_start3A_197] : memref<3x32x1024xf32, #tpu.memory_space<vmem>> -> memref<1x32x1024xf32, #tpu.memory_space<vmem>>
      %dma_start3A_199 = tpu.memref_squeeze %dma_start3A_198 : memref<1x32x1024xf32, #tpu.memory_space<vmem>> -> memref<32x1024xf32, #tpu.memory_space<vmem>>
      tpu.enqueue_dma source(%dma_start3A_199 : memref<32x1024xf32, #tpu.memory_space<vmem>>) target(%dma_start3A_195 : memref<32x1024xf32, #tpu.memory_space<hbm>>) target_semaphore(%arg9 : memref<!tpu.dma_semaphore, #tpu.memory_space<semaphore_mem>>)
    }
    %scan3A_20 = arith.constant 16 : i32
    %add3A_21 = arith.constant 1472 : i32
    %add3A_22 = arith.addi %mul3A_2, %add3A_21 : i32
    %dma_wait3A = arith.constant 1 : i32
    %dma_wait3A_23 = arith.constant 0 : i32
    %dma_wait3A_24 = arith.constant 0 : i32
    %dma_wait3A_25 = tpu.memref_slice %arg5[%dma_wait3A, %dma_wait3A_23, %dma_wait3A_24] : memref<3x32x1024xf32, #tpu.memory_space<vmem>> -> memref<1x32x1024xf32, #tpu.memory_space<vmem>>
    %dma_wait3A_26 = tpu.memref_squeeze %dma_wait3A_25 : memref<1x32x1024xf32, #tpu.memory_space<vmem>> -> memref<32x1024xf32, #tpu.memory_space<vmem>>
    %dma_wait3A_27 = arith.constant 0 : i32
    %dma_wait3A_28 = tpu.memref_slice %arg4[%add3A_22, %dma_wait3A_27] : memref<49152x1024xf32, #tpu.memory_space<hbm>> -> memref<32x1024xf32, #tpu.memory_space<hbm>>
    %dma_wait3A_29 = arith.constant 0 : i32
    %dma_wait3A_30 = tpu.memref_slice %arg4[%add3A_22, %dma_wait3A_29] : memref<49152x1024xf32, #tpu.memory_space<hbm>> -> memref<32x1024xf32, #tpu.memory_space<hbm>>
    %dma_wait3A_31 = arith.constant 0 : i32
    %dma_wait3A_32 = arith.constant 0 : i32
    %dma_wait3A_33 = tpu.memref_slice %arg5[%dma_wait3A, %dma_wait3A_31, %dma_wait3A_32] : memref<3x32x1024xf32, #tpu.memory_space<vmem>> -> memref<1x32x1024xf32, #tpu.memory_space<vmem>>
    %dma_wait3A_34 = tpu.memref_squeeze %dma_wait3A_33 : memref<1x32x1024xf32, #tpu.memory_space<vmem>> -> memref<32x1024xf32, #tpu.memory_space<vmem>>
    tpu.wait_dma2 semaphore(%arg9 : memref<!tpu.dma_semaphore, #tpu.memory_space<semaphore_mem>>) src(%dma_wait3A_34 : memref<32x1024xf32, #tpu.memory_space<vmem>>) dst(%dma_wait3A_30 : memref<32x1024xf32, #tpu.memory_space<hbm>>)
    %add3A_35 = arith.constant 1504 : i32
    %add3A_36 = arith.addi %mul3A_2, %add3A_35 : i32
    %dma_wait3A_37 = arith.constant 2 : i32
    %dma_wait3A_38 = arith.constant 0 : i32
    %dma_wait3A_39 = arith.constant 0 : i32
    %dma_wait3A_40 = tpu.memref_slice %arg5[%dma_wait3A_37, %dma_wait3A_38, %dma_wait3A_39] : memref<3x32x1024xf32, #tpu.memory_space<vmem>> -> memref<1x32x1024xf32, #tpu.memory_space<vmem>>
    %dma_wait3A_41 = tpu.memref_squeeze %dma_wait3A_40 : memref<1x32x1024xf32, #tpu.memory_space<vmem>> -> memref<32x1024xf32, #tpu.memory_space<vmem>>
    %dma_wait3A_42 = arith.constant 0 : i32
    %dma_wait3A_43 = tpu.memref_slice %arg4[%add3A_36, %dma_wait3A_42] : memref<49152x1024xf32, #tpu.memory_space<hbm>> -> memref<32x1024xf32, #tpu.memory_space<hbm>>
    %dma_wait3A_44 = arith.constant 0 : i32
    %dma_wait3A_45 = tpu.memref_slice %arg4[%add3A_36, %dma_wait3A_44] : memref<49152x1024xf32, #tpu.memory_space<hbm>> -> memref<32x1024xf32, #tpu.memory_space<hbm>>
    %dma_wait3A_46 = arith.constant 0 : i32
    %dma_wait3A_47 = arith.constant 0 : i32
    %dma_wait3A_48 = tpu.memref_slice %arg5[%dma_wait3A_37, %dma_wait3A_46, %dma_wait3A_47] : memref<3x32x1024xf32, #tpu.memory_space<vmem>> -> memref<1x32x1024xf32, #tpu.memory_space<vmem>>
    %dma_wait3A_49 = tpu.memref_squeeze %dma_wait3A_48 : memref<1x32x1024xf32, #tpu.memory_space<vmem>> -> memref<32x1024xf32, #tpu.memory_space<vmem>>
    tpu.wait_dma2 semaphore(%arg9 : memref<!tpu.dma_semaphore, #tpu.memory_space<semaphore_mem>>) src(%dma_wait3A_49 : memref<32x1024xf32, #tpu.memory_space<vmem>>) dst(%dma_wait3A_45 : memref<32x1024xf32, #tpu.memory_space<hbm>>)
    %eq3A = arith.constant 0 : i32
    %eq3A_50 = arith.cmpi eq, %add3A, %eq3A : i32
    %convert_element_type3A = arith.extui %eq3A_50 : i1 to i32
    %cond3A = arith.constant 0 : i32
    %cond3A_51 = arith.cmpi ne, %convert_element_type3A, %cond3A : i32
    scf.if %cond3A_51 {
      "tpu.region"() ({
        %run_scoped3A = tpu.sem_alloc : memref<!tpu.dma_semaphore, #tpu.memory_space<semaphore_mem>>
        %dma_start3A_97 = arith.constant 0 : i32
        %dma_start3A_98 = arith.constant 0 : i32
        %dma_start3A_99 = tpu.memref_slice %arg4[%dma_start3A_97, %dma_start3A_98] : memref<49152x1024xf32, #tpu.memory_space<hbm>> -> memref<8x1024xf32, #tpu.memory_space<hbm>>
        %dma_start3A_100 = arith.constant 0 : i32
        %dma_start3A_101 = arith.constant 0 : i32
        %dma_start3A_102 = tpu.memref_slice %arg4[%dma_start3A_100, %dma_start3A_101] : memref<49152x1024xf32, #tpu.memory_space<hbm>> -> memref<8x1024xf32, #tpu.memory_space<hbm>>
        tpu.enqueue_dma source(%dma_start3A_102 : memref<8x1024xf32, #tpu.memory_space<hbm>>) target(%arg6 : memref<8x1024xf32, #tpu.memory_space<vmem>>) target_semaphore(%run_scoped3A : memref<!tpu.dma_semaphore, #tpu.memory_space<semaphore_mem>>)
        %dma_wait3A_103 = arith.constant 0 : i32
        %dma_wait3A_104 = arith.constant 0 : i32
        %dma_wait3A_105 = tpu.memref_slice %arg4[%dma_wait3A_103, %dma_wait3A_104] : memref<49152x1024xf32, #tpu.memory_space<hbm>> -> memref<8x1024xf32, #tpu.memory_space<hbm>>
        %dma_wait3A_106 = arith.constant 0 : i32
        %dma_wait3A_107 = arith.constant 0 : i32
        %dma_wait3A_108 = tpu.memref_slice %arg4[%dma_wait3A_106, %dma_wait3A_107] : memref<49152x1024xf32, #tpu.memory_space<hbm>> -> memref<8x1024xf32, #tpu.memory_space<hbm>>
        tpu.wait_dma2 semaphore(%run_scoped3A : memref<!tpu.dma_semaphore, #tpu.memory_space<semaphore_mem>>) src(%dma_wait3A_108 : memref<8x1024xf32, #tpu.memory_space<hbm>>) dst(%arg6 : memref<8x1024xf32, #tpu.memory_space<vmem>>)
        tpu.yield
      }) : () -> ()
      "tpu.region"() ({
        %run_scoped3A = tpu.sem_alloc : memref<!tpu.dma_semaphore, #tpu.memory_space<semaphore_mem>>
        %dma_start3A_97 = arith.constant 0 : i32
        %dma_start3A_98 = arith.constant 0 : i32
        %dma_start3A_99 = tpu.memref_slice %arg3[%dma_start3A_97, %dma_start3A_98] : memref<16x1024xf32, #tpu.memory_space<hbm>> -> memref<8x1024xf32, #tpu.memory_space<hbm>>
        %dma_start3A_100 = arith.constant 0 : i32
        %dma_start3A_101 = arith.constant 0 : i32
        %dma_start3A_102 = tpu.memref_slice %arg3[%dma_start3A_100, %dma_start3A_101] : memref<16x1024xf32, #tpu.memory_space<hbm>> -> memref<8x1024xf32, #tpu.memory_space<hbm>>
        tpu.enqueue_dma source(%dma_start3A_102 : memref<8x1024xf32, #tpu.memory_space<hbm>>) target(%arg7 : memref<8x1024xf32, #tpu.memory_space<vmem>>) target_semaphore(%run_scoped3A : memref<!tpu.dma_semaphore, #tpu.memory_space<semaphore_mem>>)
        %dma_wait3A_103 = arith.constant 0 : i32
        %dma_wait3A_104 = arith.constant 0 : i32
        %dma_wait3A_105 = tpu.memref_slice %arg3[%dma_wait3A_103, %dma_wait3A_104] : memref<16x1024xf32, #tpu.memory_space<hbm>> -> memref<8x1024xf32, #tpu.memory_space<hbm>>
        %dma_wait3A_106 = arith.constant 0 : i32
        %dma_wait3A_107 = arith.constant 0 : i32
        %dma_wait3A_108 = tpu.memref_slice %arg3[%dma_wait3A_106, %dma_wait3A_107] : memref<16x1024xf32, #tpu.memory_space<hbm>> -> memref<8x1024xf32, #tpu.memory_space<hbm>>
        tpu.wait_dma2 semaphore(%run_scoped3A : memref<!tpu.dma_semaphore, #tpu.memory_space<semaphore_mem>>) src(%dma_wait3A_108 : memref<8x1024xf32, #tpu.memory_space<hbm>>) dst(%arg7 : memref<8x1024xf32, #tpu.memory_space<vmem>>)
        tpu.yield
      }) : () -> ()
      %scan3A_57 = arith.constant 0 : i32
      %scan3A_58 = arith.constant 64 : i32
      %scan3A_59 = arith.addi %scan3A_57, %scan3A_58 : i32
      %scan3A_60 = arith.constant 1 : i32
      scf.for %scan3A_97 = %scan3A_57 to %scan3A_59 step %scan3A_60  : i32 {
        %mul3A_98 = arith.constant 16 : i32
        %mul3A_99 = arith.muli %scan3A_97, %mul3A_98 : i32
        %get3A = arith.constant 0 : i32
        %get3A_100 = arith.index_cast %get3A : i32 to index
        %get3A_101 = arith.index_cast %mul3A_99 : i32 to index
        %get3A_102 = tpu.vector_load %arg6[%get3A_100, %get3A_101] {strides = array<i32>} : memref<8x1024xf32, #tpu.memory_space<vmem>>, vector<1x16xf32>,
        %get3A_103 = vector.shape_cast %get3A_102 : vector<1x16xf32> to vector<16xf32>
        %get3A_104 = arith.constant 0 : i32
        %get3A_105 = arith.index_cast %get3A_104 : i32 to index
        %get3A_106 = arith.index_cast %mul3A_99 : i32 to index
        %get3A_107 = tpu.vector_load %arg7[%get3A_105, %get3A_106] {strides = array<i32>} : memref<8x1024xf32, #tpu.memory_space<vmem>>, vector<1x16xf32>,
        %get3A_108 = vector.shape_cast %get3A_107 : vector<1x16xf32> to vector<16xf32>
        %add3A_109 = arith.addf %get3A_103, %get3A_108 : vector<16xf32>
        %swap3A = arith.constant 0 : i32
        %swap3A_110 = arith.index_cast %swap3A : i32 to index
        %swap3A_111 = arith.index_cast %mul3A_99 : i32 to index
        %swap3A_112 = tpu.vector_load %arg6[%swap3A_110, %swap3A_111] {strides = array<i32>} : memref<8x1024xf32, #tpu.memory_space<vmem>>, vector<1x16xf32>,
        %swap3A_113 = vector.shape_cast %swap3A_112 : vector<1x16xf32> to vector<16xf32>
        %swap3A_114 = vector.shape_cast %add3A_109 : vector<16xf32> to vector<1x16xf32>
        tpu.vector_store %arg6[%swap3A_110, %swap3A_111], %swap3A_114 {strides = array<i32>} : memref<8x1024xf32, #tpu.memory_space<vmem>>, vector<1x16xf32>,
      }
      %scan3A_61 = arith.constant 64 : i32
      %scan3A_62 = arith.constant 0 : i32
      %scan3A_63 = arith.constant 64 : i32
      %scan3A_64 = arith.addi %scan3A_62, %scan3A_63 : i32
      %scan3A_65 = arith.constant 1 : i32
      scf.for %scan3A_97 = %scan3A_62 to %scan3A_64 step %scan3A_65  : i32 {
        %mul3A_98 = arith.constant 16 : i32
        %mul3A_99 = arith.muli %scan3A_97, %mul3A_98 : i32
        %get3A = arith.constant 1 : i32
        %get3A_100 = arith.index_cast %get3A : i32 to index
        %get3A_101 = arith.index_cast %mul3A_99 : i32 to index
        %get3A_102 = tpu.vector_load %arg6[%get3A_100, %get3A_101] {strides = array<i32>} : memref<8x1024xf32, #tpu.memory_space<vmem>>, vector<1x16xf32>,
        %get3A_103 = vector.shape_cast %get3A_102 : vector<1x16xf32> to vector<16xf32>
        %get3A_104 = arith.constant 1 : i32
        %get3A_105 = arith.index_cast %get3A_104 : i32 to index
        %get3A_106 = arith.index_cast %mul3A_99 : i32 to index
        %get3A_107 = tpu.vector_load %arg7[%get3A_105, %get3A_106] {strides = array<i32>} : memref<8x1024xf32, #tpu.memory_space<vmem>>, vector<1x16xf32>,
        %get3A_108 = vector.shape_cast %get3A_107 : vector<1x16xf32> to vector<16xf32>
        %add3A_109 = arith.addf %get3A_103, %get3A_108 : vector<16xf32>
        %swap3A = arith.constant 1 : i32
        %swap3A_110 = arith.index_cast %swap3A : i32 to index
        %swap3A_111 = arith.index_cast %mul3A_99 : i32 to index
        %swap3A_112 = tpu.vector_load %arg6[%swap3A_110, %swap3A_111] {strides = array<i32>} : memref<8x1024xf32, #tpu.memory_space<vmem>>, vector<1x16xf32>,
        %swap3A_113 = vector.shape_cast %swap3A_112 : vector<1x16xf32> to vector<16xf32>
        %swap3A_114 = vector.shape_cast %add3A_109 : vector<16xf32> to vector<1x16xf32>
        tpu.vector_store %arg6[%swap3A_110, %swap3A_111], %swap3A_114 {strides = array<i32>} : memref<8x1024xf32, #tpu.memory_space<vmem>>, vector<1x16xf32>,
      }
      %scan3A_66 = arith.constant 64 : i32
      %scan3A_67 = arith.constant 0 : i32
      %scan3A_68 = arith.constant 64 : i32
      %scan3A_69 = arith.addi %scan3A_67, %scan3A_68 : i32
      %scan3A_70 = arith.constant 1 : i32
      scf.for %scan3A_97 = %scan3A_67 to %scan3A_69 step %scan3A_70  : i32 {
        %mul3A_98 = arith.constant 16 : i32
        %mul3A_99 = arith.muli %scan3A_97, %mul3A_98 : i32
        %get3A = arith.constant 2 : i32
        %get3A_100 = arith.index_cast %get3A : i32 to index
        %get3A_101 = arith.index_cast %mul3A_99 : i32 to index
        %get3A_102 = tpu.vector_load %arg6[%get3A_100, %get3A_101] {strides = array<i32>} : memref<8x1024xf32, #tpu.memory_space<vmem>>, vector<1x16xf32>,
        %get3A_103 = vector.shape_cast %get3A_102 : vector<1x16xf32> to vector<16xf32>
        %get3A_104 = arith.constant 2 : i32
        %get3A_105 = arith.index_cast %get3A_104 : i32 to index
        %get3A_106 = arith.index_cast %mul3A_99 : i32 to index
        %get3A_107 = tpu.vector_load %arg7[%get3A_105, %get3A_106] {strides = array<i32>} : memref<8x1024xf32, #tpu.memory_space<vmem>>, vector<1x16xf32>,
        %get3A_108 = vector.shape_cast %get3A_107 : vector<1x16xf32> to vector<16xf32>
        %add3A_109 = arith.addf %get3A_103, %get3A_108 : vector<16xf32>
        %swap3A = arith.constant 2 : i32
        %swap3A_110 = arith.index_cast %swap3A : i32 to index
        %swap3A_111 = arith.index_cast %mul3A_99 : i32 to index
        %swap3A_112 = tpu.vector_load %arg6[%swap3A_110, %swap3A_111] {strides = array<i32>} : memref<8x1024xf32, #tpu.memory_space<vmem>>, vector<1x16xf32>,
        %swap3A_113 = vector.shape_cast %swap3A_112 : vector<1x16xf32> to vector<16xf32>
        %swap3A_114 = vector.shape_cast %add3A_109 : vector<16xf32> to vector<1x16xf32>
        tpu.vector_store %arg6[%swap3A_110, %swap3A_111], %swap3A_114 {strides = array<i32>} : memref<8x1024xf32, #tpu.memory_space<vmem>>, vector<1x16xf32>,
      }
      %scan3A_71 = arith.constant 64 : i32
      %scan3A_72 = arith.constant 0 : i32
      %scan3A_73 = arith.constant 64 : i32
      %scan3A_74 = arith.addi %scan3A_72, %scan3A_73 : i32
      %scan3A_75 = arith.constant 1 : i32
      scf.for %scan3A_97 = %scan3A_72 to %scan3A_74 step %scan3A_75  : i32 {
        %mul3A_98 = arith.constant 16 : i32
        %mul3A_99 = arith.muli %scan3A_97, %mul3A_98 : i32
        %get3A = arith.constant 3 : i32
        %get3A_100 = arith.index_cast %get3A : i32 to index
        %get3A_101 = arith.index_cast %mul3A_99 : i32 to index
        %get3A_102 = tpu.vector_load %arg6[%get3A_100, %get3A_101] {strides = array<i32>} : memref<8x1024xf32, #tpu.memory_space<vmem>>, vector<1x16xf32>,
        %get3A_103 = vector.shape_cast %get3A_102 : vector<1x16xf32> to vector<16xf32>
        %get3A_104 = arith.constant 3 : i32
        %get3A_105 = arith.index_cast %get3A_104 : i32 to index
        %get3A_106 = arith.index_cast %mul3A_99 : i32 to index
        %get3A_107 = tpu.vector_load %arg7[%get3A_105, %get3A_106] {strides = array<i32>} : memref<8x1024xf32, #tpu.memory_space<vmem>>, vector<1x16xf32>,
        %get3A_108 = vector.shape_cast %get3A_107 : vector<1x16xf32> to vector<16xf32>
        %add3A_109 = arith.addf %get3A_103, %get3A_108 : vector<16xf32>
        %swap3A = arith.constant 3 : i32
        %swap3A_110 = arith.index_cast %swap3A : i32 to index
        %swap3A_111 = arith.index_cast %mul3A_99 : i32 to index
        %swap3A_112 = tpu.vector_load %arg6[%swap3A_110, %swap3A_111] {strides = array<i32>} : memref<8x1024xf32, #tpu.memory_space<vmem>>, vector<1x16xf32>,
        %swap3A_113 = vector.shape_cast %swap3A_112 : vector<1x16xf32> to vector<16xf32>
        %swap3A_114 = vector.shape_cast %add3A_109 : vector<16xf32> to vector<1x16xf32>
        tpu.vector_store %arg6[%swap3A_110, %swap3A_111], %swap3A_114 {strides = array<i32>} : memref<8x1024xf32, #tpu.memory_space<vmem>>, vector<1x16xf32>,
      }
      %scan3A_76 = arith.constant 64 : i32
      %scan3A_77 = arith.constant 0 : i32
      %scan3A_78 = arith.constant 64 : i32
      %scan3A_79 = arith.addi %scan3A_77, %scan3A_78 : i32
      %scan3A_80 = arith.constant 1 : i32
      scf.for %scan3A_97 = %scan3A_77 to %scan3A_79 step %scan3A_80  : i32 {
        %mul3A_98 = arith.constant 16 : i32
        %mul3A_99 = arith.muli %scan3A_97, %mul3A_98 : i32
        %get3A = arith.constant 4 : i32
        %get3A_100 = arith.index_cast %get3A : i32 to index
        %get3A_101 = arith.index_cast %mul3A_99 : i32 to index
        %get3A_102 = tpu.vector_load %arg6[%get3A_100, %get3A_101] {strides = array<i32>} : memref<8x1024xf32, #tpu.memory_space<vmem>>, vector<1x16xf32>,
        %get3A_103 = vector.shape_cast %get3A_102 : vector<1x16xf32> to vector<16xf32>
        %get3A_104 = arith.constant 4 : i32
        %get3A_105 = arith.index_cast %get3A_104 : i32 to index
        %get3A_106 = arith.index_cast %mul3A_99 : i32 to index
        %get3A_107 = tpu.vector_load %arg7[%get3A_105, %get3A_106] {strides = array<i32>} : memref<8x1024xf32, #tpu.memory_space<vmem>>, vector<1x16xf32>,
        %get3A_108 = vector.shape_cast %get3A_107 : vector<1x16xf32> to vector<16xf32>
        %add3A_109 = arith.addf %get3A_103, %get3A_108 : vector<16xf32>
        %swap3A = arith.constant 4 : i32
        %swap3A_110 = arith.index_cast %swap3A : i32 to index
        %swap3A_111 = arith.index_cast %mul3A_99 : i32 to index
        %swap3A_112 = tpu.vector_load %arg6[%swap3A_110, %swap3A_111] {strides = array<i32>} : memref<8x1024xf32, #tpu.memory_space<vmem>>, vector<1x16xf32>,
        %swap3A_113 = vector.shape_cast %swap3A_112 : vector<1x16xf32> to vector<16xf32>
        %swap3A_114 = vector.shape_cast %add3A_109 : vector<16xf32> to vector<1x16xf32>
        tpu.vector_store %arg6[%swap3A_110, %swap3A_111], %swap3A_114 {strides = array<i32>} : memref<8x1024xf32, #tpu.memory_space<vmem>>, vector<1x16xf32>,
      }
      %scan3A_81 = arith.constant 64 : i32
      %scan3A_82 = arith.constant 0 : i32
      %scan3A_83 = arith.constant 64 : i32
      %scan3A_84 = arith.addi %scan3A_82, %scan3A_83 : i32
      %scan3A_85 = arith.constant 1 : i32
      scf.for %scan3A_97 = %scan3A_82 to %scan3A_84 step %scan3A_85  : i32 {
        %mul3A_98 = arith.constant 16 : i32
        %mul3A_99 = arith.muli %scan3A_97, %mul3A_98 : i32
        %get3A = arith.constant 5 : i32
        %get3A_100 = arith.index_cast %get3A : i32 to index
        %get3A_101 = arith.index_cast %mul3A_99 : i32 to index
        %get3A_102 = tpu.vector_load %arg6[%get3A_100, %get3A_101] {strides = array<i32>} : memref<8x1024xf32, #tpu.memory_space<vmem>>, vector<1x16xf32>,
        %get3A_103 = vector.shape_cast %get3A_102 : vector<1x16xf32> to vector<16xf32>
        %get3A_104 = arith.constant 5 : i32
        %get3A_105 = arith.index_cast %get3A_104 : i32 to index
        %get3A_106 = arith.index_cast %mul3A_99 : i32 to index
        %get3A_107 = tpu.vector_load %arg7[%get3A_105, %get3A_106] {strides = array<i32>} : memref<8x1024xf32, #tpu.memory_space<vmem>>, vector<1x16xf32>,
        %get3A_108 = vector.shape_cast %get3A_107 : vector<1x16xf32> to vector<16xf32>
        %add3A_109 = arith.addf %get3A_103, %get3A_108 : vector<16xf32>
        %swap3A = arith.constant 5 : i32
        %swap3A_110 = arith.index_cast %swap3A : i32 to index
        %swap3A_111 = arith.index_cast %mul3A_99 : i32 to index
        %swap3A_112 = tpu.vector_load %arg6[%swap3A_110, %swap3A_111] {strides = array<i32>} : memref<8x1024xf32, #tpu.memory_space<vmem>>, vector<1x16xf32>,
        %swap3A_113 = vector.shape_cast %swap3A_112 : vector<1x16xf32> to vector<16xf32>
        %swap3A_114 = vector.shape_cast %add3A_109 : vector<16xf32> to vector<1x16xf32>
        tpu.vector_store %arg6[%swap3A_110, %swap3A_111], %swap3A_114 {strides = array<i32>} : memref<8x1024xf32, #tpu.memory_space<vmem>>, vector<1x16xf32>,
      }
      %scan3A_86 = arith.constant 64 : i32
      %scan3A_87 = arith.constant 0 : i32
      %scan3A_88 = arith.constant 64 : i32
      %scan3A_89 = arith.addi %scan3A_87, %scan3A_88 : i32
      %scan3A_90 = arith.constant 1 : i32
      scf.for %scan3A_97 = %scan3A_87 to %scan3A_89 step %scan3A_90  : i32 {
        %mul3A_98 = arith.constant 16 : i32
        %mul3A_99 = arith.muli %scan3A_97, %mul3A_98 : i32
        %get3A = arith.constant 6 : i32
        %get3A_100 = arith.index_cast %get3A : i32 to index
        %get3A_101 = arith.index_cast %mul3A_99 : i32 to index
        %get3A_102 = tpu.vector_load %arg6[%get3A_100, %get3A_101] {strides = array<i32>} : memref<8x1024xf32, #tpu.memory_space<vmem>>, vector<1x16xf32>,
        %get3A_103 = vector.shape_cast %get3A_102 : vector<1x16xf32> to vector<16xf32>
        %get3A_104 = arith.constant 6 : i32
        %get3A_105 = arith.index_cast %get3A_104 : i32 to index
        %get3A_106 = arith.index_cast %mul3A_99 : i32 to index
        %get3A_107 = tpu.vector_load %arg7[%get3A_105, %get3A_106] {strides = array<i32>} : memref<8x1024xf32, #tpu.memory_space<vmem>>, vector<1x16xf32>,
        %get3A_108 = vector.shape_cast %get3A_107 : vector<1x16xf32> to vector<16xf32>
        %add3A_109 = arith.addf %get3A_103, %get3A_108 : vector<16xf32>
        %swap3A = arith.constant 6 : i32
        %swap3A_110 = arith.index_cast %swap3A : i32 to index
        %swap3A_111 = arith.index_cast %mul3A_99 : i32 to index
        %swap3A_112 = tpu.vector_load %arg6[%swap3A_110, %swap3A_111] {strides = array<i32>} : memref<8x1024xf32, #tpu.memory_space<vmem>>, vector<1x16xf32>,
        %swap3A_113 = vector.shape_cast %swap3A_112 : vector<1x16xf32> to vector<16xf32>
        %swap3A_114 = vector.shape_cast %add3A_109 : vector<16xf32> to vector<1x16xf32>
        tpu.vector_store %arg6[%swap3A_110, %swap3A_111], %swap3A_114 {strides = array<i32>} : memref<8x1024xf32, #tpu.memory_space<vmem>>, vector<1x16xf32>,
      }
      %scan3A_91 = arith.constant 64 : i32
      %scan3A_92 = arith.constant 0 : i32
      %scan3A_93 = arith.constant 64 : i32
      %scan3A_94 = arith.addi %scan3A_92, %scan3A_93 : i32
      %scan3A_95 = arith.constant 1 : i32
      scf.for %scan3A_97 = %scan3A_92 to %scan3A_94 step %scan3A_95  : i32 {
        %mul3A_98 = arith.constant 16 : i32
        %mul3A_99 = arith.muli %scan3A_97, %mul3A_98 : i32
        %get3A = arith.constant 7 : i32
        %get3A_100 = arith.index_cast %get3A : i32 to index
        %get3A_101 = arith.index_cast %mul3A_99 : i32 to index
        %get3A_102 = tpu.vector_load %arg6[%get3A_100, %get3A_101] {strides = array<i32>} : memref<8x1024xf32, #tpu.memory_space<vmem>>, vector<1x16xf32>,
        %get3A_103 = vector.shape_cast %get3A_102 : vector<1x16xf32> to vector<16xf32>
        %get3A_104 = arith.constant 7 : i32
        %get3A_105 = arith.index_cast %get3A_104 : i32 to index
        %get3A_106 = arith.index_cast %mul3A_99 : i32 to index
        %get3A_107 = tpu.vector_load %arg7[%get3A_105, %get3A_106] {strides = array<i32>} : memref<8x1024xf32, #tpu.memory_space<vmem>>, vector<1x16xf32>,
        %get3A_108 = vector.shape_cast %get3A_107 : vector<1x16xf32> to vector<16xf32>
        %add3A_109 = arith.addf %get3A_103, %get3A_108 : vector<16xf32>
        %swap3A = arith.constant 7 : i32
        %swap3A_110 = arith.index_cast %swap3A : i32 to index
        %swap3A_111 = arith.index_cast %mul3A_99 : i32 to index
        %swap3A_112 = tpu.vector_load %arg6[%swap3A_110, %swap3A_111] {strides = array<i32>} : memref<8x1024xf32, #tpu.memory_space<vmem>>, vector<1x16xf32>,
        %swap3A_113 = vector.shape_cast %swap3A_112 : vector<1x16xf32> to vector<16xf32>
        %swap3A_114 = vector.shape_cast %add3A_109 : vector<16xf32> to vector<1x16xf32>
        tpu.vector_store %arg6[%swap3A_110, %swap3A_111], %swap3A_114 {strides = array<i32>} : memref<8x1024xf32, #tpu.memory_space<vmem>>, vector<1x16xf32>,
      }
      %scan3A_96 = arith.constant 64 : i32
      "tpu.region"() ({
        %run_scoped3A = tpu.sem_alloc : memref<!tpu.dma_semaphore, #tpu.memory_space<semaphore_mem>>
        %dma_start3A_97 = arith.constant 0 : i32
        %dma_start3A_98 = arith.constant 0 : i32
        %dma_start3A_99 = tpu.memref_slice %arg4[%dma_start3A_97, %dma_start3A_98] : memref<49152x1024xf32, #tpu.memory_space<hbm>> -> memref<8x1024xf32, #tpu.memory_space<hbm>>
        %dma_start3A_100 = arith.constant 0 : i32
        %dma_start3A_101 = arith.constant 0 : i32
        %dma_start3A_102 = tpu.memref_slice %arg4[%dma_start3A_100, %dma_start3A_101] : memref<49152x1024xf32, #tpu.memory_space<hbm>> -> memref<8x1024xf32, #tpu.memory_space<hbm>>
        tpu.enqueue_dma source(%arg6 : memref<8x1024xf32, #tpu.memory_space<vmem>>) target(%dma_start3A_102 : memref<8x1024xf32, #tpu.memory_space<hbm>>) target_semaphore(%run_scoped3A : memref<!tpu.dma_semaphore, #tpu.memory_space<semaphore_mem>>)
        %dma_wait3A_103 = arith.constant 0 : i32
        %dma_wait3A_104 = arith.constant 0 : i32
        %dma_wait3A_105 = tpu.memref_slice %arg4[%dma_wait3A_103, %dma_wait3A_104] : memref<49152x1024xf32, #tpu.memory_space<hbm>> -> memref<8x1024xf32, #tpu.memory_space<hbm>>
        %dma_wait3A_106 = arith.constant 0 : i32
        %dma_wait3A_107 = arith.constant 0 : i32
        %dma_wait3A_108 = tpu.memref_slice %arg4[%dma_wait3A_106, %dma_wait3A_107] : memref<49152x1024xf32, #tpu.memory_space<hbm>> -> memref<8x1024xf32, #tpu.memory_space<hbm>>
        tpu.wait_dma2 semaphore(%run_scoped3A : memref<!tpu.dma_semaphore, #tpu.memory_space<semaphore_mem>>) src(%arg6 : memref<8x1024xf32, #tpu.memory_space<vmem>>) dst(%dma_wait3A_108 : memref<8x1024xf32, #tpu.memory_space<hbm>>)
        tpu.yield
      }) : () -> ()
    } else {
    }
    %eq3A_52 = arith.constant 10 : i32
    %eq3A_53 = arith.cmpi eq, %add3A, %eq3A_52 : i32
    %convert_element_type3A_54 = arith.extui %eq3A_53 : i1 to i32
    %cond3A_55 = arith.constant 0 : i32
    %cond3A_56 = arith.cmpi ne, %convert_element_type3A_54, %cond3A_55 : i32
    scf.if %cond3A_56 {
      "tpu.region"() ({
        %run_scoped3A = tpu.sem_alloc : memref<!tpu.dma_semaphore, #tpu.memory_space<semaphore_mem>>
        %dma_start3A_97 = arith.constant 16384 : i32
        %dma_start3A_98 = arith.constant 0 : i32
        %dma_start3A_99 = tpu.memref_slice %arg4[%dma_start3A_97, %dma_start3A_98] : memref<49152x1024xf32, #tpu.memory_space<hbm>> -> memref<8x1024xf32, #tpu.memory_space<hbm>>
        %dma_start3A_100 = arith.constant 16384 : i32
        %dma_start3A_101 = arith.constant 0 : i32
        %dma_start3A_102 = tpu.memref_slice %arg4[%dma_start3A_100, %dma_start3A_101] : memref<49152x1024xf32, #tpu.memory_space<hbm>> -> memref<8x1024xf32, #tpu.memory_space<hbm>>
        tpu.enqueue_dma source(%dma_start3A_102 : memref<8x1024xf32, #tpu.memory_space<hbm>>) target(%arg6 : memref<8x1024xf32, #tpu.memory_space<vmem>>) target_semaphore(%run_scoped3A : memref<!tpu.dma_semaphore, #tpu.memory_space<semaphore_mem>>)
        %dma_wait3A_103 = arith.constant 16384 : i32
        %dma_wait3A_104 = arith.constant 0 : i32
        %dma_wait3A_105 = tpu.memref_slice %arg4[%dma_wait3A_103, %dma_wait3A_104] : memref<49152x1024xf32, #tpu.memory_space<hbm>> -> memref<8x1024xf32, #tpu.memory_space<hbm>>
        %dma_wait3A_106 = arith.constant 16384 : i32
        %dma_wait3A_107 = arith.constant 0 : i32
        %dma_wait3A_108 = tpu.memref_slice %arg4[%dma_wait3A_106, %dma_wait3A_107] : memref<49152x1024xf32, #tpu.memory_space<hbm>> -> memref<8x1024xf32, #tpu.memory_space<hbm>>
        tpu.wait_dma2 semaphore(%run_scoped3A : memref<!tpu.dma_semaphore, #tpu.memory_space<semaphore_mem>>) src(%dma_wait3A_108 : memref<8x1024xf32, #tpu.memory_space<hbm>>) dst(%arg6 : memref<8x1024xf32, #tpu.memory_space<vmem>>)
        tpu.yield
      }) : () -> ()
      "tpu.region"() ({
        %run_scoped3A = tpu.sem_alloc : memref<!tpu.dma_semaphore, #tpu.memory_space<semaphore_mem>>
        %dma_start3A_97 = arith.constant 8 : i32
        %dma_start3A_98 = arith.constant 0 : i32
        %dma_start3A_99 = tpu.memref_slice %arg3[%dma_start3A_97, %dma_start3A_98] : memref<16x1024xf32, #tpu.memory_space<hbm>> -> memref<8x1024xf32, #tpu.memory_space<hbm>>
        %dma_start3A_100 = arith.constant 8 : i32
        %dma_start3A_101 = arith.constant 0 : i32
        %dma_start3A_102 = tpu.memref_slice %arg3[%dma_start3A_100, %dma_start3A_101] : memref<16x1024xf32, #tpu.memory_space<hbm>> -> memref<8x1024xf32, #tpu.memory_space<hbm>>
        tpu.enqueue_dma source(%dma_start3A_102 : memref<8x1024xf32, #tpu.memory_space<hbm>>) target(%arg7 : memref<8x1024xf32, #tpu.memory_space<vmem>>) target_semaphore(%run_scoped3A : memref<!tpu.dma_semaphore, #tpu.memory_space<semaphore_mem>>)
        %dma_wait3A_103 = arith.constant 8 : i32
        %dma_wait3A_104 = arith.constant 0 : i32
        %dma_wait3A_105 = tpu.memref_slice %arg3[%dma_wait3A_103, %dma_wait3A_104] : memref<16x1024xf32, #tpu.memory_space<hbm>> -> memref<8x1024xf32, #tpu.memory_space<hbm>>
        %dma_wait3A_106 = arith.constant 8 : i32
        %dma_wait3A_107 = arith.constant 0 : i32
        %dma_wait3A_108 = tpu.memref_slice %arg3[%dma_wait3A_106, %dma_wait3A_107] : memref<16x1024xf32, #tpu.memory_space<hbm>> -> memref<8x1024xf32, #tpu.memory_space<hbm>>
        tpu.wait_dma2 semaphore(%run_scoped3A : memref<!tpu.dma_semaphore, #tpu.memory_space<semaphore_mem>>) src(%dma_wait3A_108 : memref<8x1024xf32, #tpu.memory_space<hbm>>) dst(%arg7 : memref<8x1024xf32, #tpu.memory_space<vmem>>)
        tpu.yield
      }) : () -> ()
      %scan3A_57 = arith.constant 0 : i32
      %scan3A_58 = arith.constant 64 : i32
      %scan3A_59 = arith.addi %scan3A_57, %scan3A_58 : i32
      %scan3A_60 = arith.constant 1 : i32
      scf.for %scan3A_97 = %scan3A_57 to %scan3A_59 step %scan3A_60  : i32 {
        %mul3A_98 = arith.constant 16 : i32
        %mul3A_99 = arith.muli %scan3A_97, %mul3A_98 : i32
        %get3A = arith.constant 0 : i32
        %get3A_100 = arith.index_cast %get3A : i32 to index
        %get3A_101 = arith.index_cast %mul3A_99 : i32 to index
        %get3A_102 = tpu.vector_load %arg6[%get3A_100, %get3A_101] {strides = array<i32>} : memref<8x1024xf32, #tpu.memory_space<vmem>>, vector<1x16xf32>,
        %get3A_103 = vector.shape_cast %get3A_102 : vector<1x16xf32> to vector<16xf32>
        %get3A_104 = arith.constant 0 : i32
        %get3A_105 = arith.index_cast %get3A_104 : i32 to index
        %get3A_106 = arith.index_cast %mul3A_99 : i32 to index
        %get3A_107 = tpu.vector_load %arg7[%get3A_105, %get3A_106] {strides = array<i32>} : memref<8x1024xf32, #tpu.memory_space<vmem>>, vector<1x16xf32>,
        %get3A_108 = vector.shape_cast %get3A_107 : vector<1x16xf32> to vector<16xf32>
        %add3A_109 = arith.addf %get3A_103, %get3A_108 : vector<16xf32>
        %swap3A = arith.constant 0 : i32
        %swap3A_110 = arith.index_cast %swap3A : i32 to index
        %swap3A_111 = arith.index_cast %mul3A_99 : i32 to index
        %swap3A_112 = tpu.vector_load %arg6[%swap3A_110, %swap3A_111] {strides = array<i32>} : memref<8x1024xf32, #tpu.memory_space<vmem>>, vector<1x16xf32>,
        %swap3A_113 = vector.shape_cast %swap3A_112 : vector<1x16xf32> to vector<16xf32>
        %swap3A_114 = vector.shape_cast %add3A_109 : vector<16xf32> to vector<1x16xf32>
        tpu.vector_store %arg6[%swap3A_110, %swap3A_111], %swap3A_114 {strides = array<i32>} : memref<8x1024xf32, #tpu.memory_space<vmem>>, vector<1x16xf32>,
      }
      %scan3A_61 = arith.constant 64 : i32
      %scan3A_62 = arith.constant 0 : i32
      %scan3A_63 = arith.constant 64 : i32
      %scan3A_64 = arith.addi %scan3A_62, %scan3A_63 : i32
      %scan3A_65 = arith.constant 1 : i32
      scf.for %scan3A_97 = %scan3A_62 to %scan3A_64 step %scan3A_65  : i32 {
        %mul3A_98 = arith.constant 16 : i32
        %mul3A_99 = arith.muli %scan3A_97, %mul3A_98 : i32
        %get3A = arith.constant 1 : i32
        %get3A_100 = arith.index_cast %get3A : i32 to index
        %get3A_101 = arith.index_cast %mul3A_99 : i32 to index
        %get3A_102 = tpu.vector_load %arg6[%get3A_100, %get3A_101] {strides = array<i32>} : memref<8x1024xf32, #tpu.memory_space<vmem>>, vector<1x16xf32>,
        %get3A_103 = vector.shape_cast %get3A_102 : vector<1x16xf32> to vector<16xf32>
        %get3A_104 = arith.constant 1 : i32
        %get3A_105 = arith.index_cast %get3A_104 : i32 to index
        %get3A_106 = arith.index_cast %mul3A_99 : i32 to index
        %get3A_107 = tpu.vector_load %arg7[%get3A_105, %get3A_106] {strides = array<i32>} : memref<8x1024xf32, #tpu.memory_space<vmem>>, vector<1x16xf32>,
        %get3A_108 = vector.shape_cast %get3A_107 : vector<1x16xf32> to vector<16xf32>
        %add3A_109 = arith.addf %get3A_103, %get3A_108 : vector<16xf32>
        %swap3A = arith.constant 1 : i32
        %swap3A_110 = arith.index_cast %swap3A : i32 to index
        %swap3A_111 = arith.index_cast %mul3A_99 : i32 to index
        %swap3A_112 = tpu.vector_load %arg6[%swap3A_110, %swap3A_111] {strides = array<i32>} : memref<8x1024xf32, #tpu.memory_space<vmem>>, vector<1x16xf32>,
        %swap3A_113 = vector.shape_cast %swap3A_112 : vector<1x16xf32> to vector<16xf32>
        %swap3A_114 = vector.shape_cast %add3A_109 : vector<16xf32> to vector<1x16xf32>
        tpu.vector_store %arg6[%swap3A_110, %swap3A_111], %swap3A_114 {strides = array<i32>} : memref<8x1024xf32, #tpu.memory_space<vmem>>, vector<1x16xf32>,
      }
      %scan3A_66 = arith.constant 64 : i32
      %scan3A_67 = arith.constant 0 : i32
      %scan3A_68 = arith.constant 64 : i32
      %scan3A_69 = arith.addi %scan3A_67, %scan3A_68 : i32
      %scan3A_70 = arith.constant 1 : i32
      scf.for %scan3A_97 = %scan3A_67 to %scan3A_69 step %scan3A_70  : i32 {
        %mul3A_98 = arith.constant 16 : i32
        %mul3A_99 = arith.muli %scan3A_97, %mul3A_98 : i32
        %get3A = arith.constant 2 : i32
        %get3A_100 = arith.index_cast %get3A : i32 to index
        %get3A_101 = arith.index_cast %mul3A_99 : i32 to index
        %get3A_102 = tpu.vector_load %arg6[%get3A_100, %get3A_101] {strides = array<i32>} : memref<8x1024xf32, #tpu.memory_space<vmem>>, vector<1x16xf32>,
        %get3A_103 = vector.shape_cast %get3A_102 : vector<1x16xf32> to vector<16xf32>
        %get3A_104 = arith.constant 2 : i32
        %get3A_105 = arith.index_cast %get3A_104 : i32 to index
        %get3A_106 = arith.index_cast %mul3A_99 : i32 to index
        %get3A_107 = tpu.vector_load %arg7[%get3A_105, %get3A_106] {strides = array<i32>} : memref<8x1024xf32, #tpu.memory_space<vmem>>, vector<1x16xf32>,
        %get3A_108 = vector.shape_cast %get3A_107 : vector<1x16xf32> to vector<16xf32>
        %add3A_109 = arith.addf %get3A_103, %get3A_108 : vector<16xf32>
        %swap3A = arith.constant 2 : i32
        %swap3A_110 = arith.index_cast %swap3A : i32 to index
        %swap3A_111 = arith.index_cast %mul3A_99 : i32 to index
        %swap3A_112 = tpu.vector_load %arg6[%swap3A_110, %swap3A_111] {strides = array<i32>} : memref<8x1024xf32, #tpu.memory_space<vmem>>, vector<1x16xf32>,
        %swap3A_113 = vector.shape_cast %swap3A_112 : vector<1x16xf32> to vector<16xf32>
        %swap3A_114 = vector.shape_cast %add3A_109 : vector<16xf32> to vector<1x16xf32>
        tpu.vector_store %arg6[%swap3A_110, %swap3A_111], %swap3A_114 {strides = array<i32>} : memref<8x1024xf32, #tpu.memory_space<vmem>>, vector<1x16xf32>,
      }
      %scan3A_71 = arith.constant 64 : i32
      %scan3A_72 = arith.constant 0 : i32
      %scan3A_73 = arith.constant 64 : i32
      %scan3A_74 = arith.addi %scan3A_72, %scan3A_73 : i32
      %scan3A_75 = arith.constant 1 : i32
      scf.for %scan3A_97 = %scan3A_72 to %scan3A_74 step %scan3A_75  : i32 {
        %mul3A_98 = arith.constant 16 : i32
        %mul3A_99 = arith.muli %scan3A_97, %mul3A_98 : i32
        %get3A = arith.constant 3 : i32
        %get3A_100 = arith.index_cast %get3A : i32 to index
        %get3A_101 = arith.index_cast %mul3A_99 : i32 to index
        %get3A_102 = tpu.vector_load %arg6[%get3A_100, %get3A_101] {strides = array<i32>} : memref<8x1024xf32, #tpu.memory_space<vmem>>, vector<1x16xf32>,
        %get3A_103 = vector.shape_cast %get3A_102 : vector<1x16xf32> to vector<16xf32>
        %get3A_104 = arith.constant 3 : i32
        %get3A_105 = arith.index_cast %get3A_104 : i32 to index
        %get3A_106 = arith.index_cast %mul3A_99 : i32 to index
        %get3A_107 = tpu.vector_load %arg7[%get3A_105, %get3A_106] {strides = array<i32>} : memref<8x1024xf32, #tpu.memory_space<vmem>>, vector<1x16xf32>,
        %get3A_108 = vector.shape_cast %get3A_107 : vector<1x16xf32> to vector<16xf32>
        %add3A_109 = arith.addf %get3A_103, %get3A_108 : vector<16xf32>
        %swap3A = arith.constant 3 : i32
        %swap3A_110 = arith.index_cast %swap3A : i32 to index
        %swap3A_111 = arith.index_cast %mul3A_99 : i32 to index
        %swap3A_112 = tpu.vector_load %arg6[%swap3A_110, %swap3A_111] {strides = array<i32>} : memref<8x1024xf32, #tpu.memory_space<vmem>>, vector<1x16xf32>,
        %swap3A_113 = vector.shape_cast %swap3A_112 : vector<1x16xf32> to vector<16xf32>
        %swap3A_114 = vector.shape_cast %add3A_109 : vector<16xf32> to vector<1x16xf32>
        tpu.vector_store %arg6[%swap3A_110, %swap3A_111], %swap3A_114 {strides = array<i32>} : memref<8x1024xf32, #tpu.memory_space<vmem>>, vector<1x16xf32>,
      }
      %scan3A_76 = arith.constant 64 : i32
      %scan3A_77 = arith.constant 0 : i32
      %scan3A_78 = arith.constant 64 : i32
      %scan3A_79 = arith.addi %scan3A_77, %scan3A_78 : i32
      %scan3A_80 = arith.constant 1 : i32
      scf.for %scan3A_97 = %scan3A_77 to %scan3A_79 step %scan3A_80  : i32 {
        %mul3A_98 = arith.constant 16 : i32
        %mul3A_99 = arith.muli %scan3A_97, %mul3A_98 : i32
        %get3A = arith.constant 4 : i32
        %get3A_100 = arith.index_cast %get3A : i32 to index
        %get3A_101 = arith.index_cast %mul3A_99 : i32 to index
        %get3A_102 = tpu.vector_load %arg6[%get3A_100, %get3A_101] {strides = array<i32>} : memref<8x1024xf32, #tpu.memory_space<vmem>>, vector<1x16xf32>,
        %get3A_103 = vector.shape_cast %get3A_102 : vector<1x16xf32> to vector<16xf32>
        %get3A_104 = arith.constant 4 : i32
        %get3A_105 = arith.index_cast %get3A_104 : i32 to index
        %get3A_106 = arith.index_cast %mul3A_99 : i32 to index
        %get3A_107 = tpu.vector_load %arg7[%get3A_105, %get3A_106] {strides = array<i32>} : memref<8x1024xf32, #tpu.memory_space<vmem>>, vector<1x16xf32>,
        %get3A_108 = vector.shape_cast %get3A_107 : vector<1x16xf32> to vector<16xf32>
        %add3A_109 = arith.addf %get3A_103, %get3A_108 : vector<16xf32>
        %swap3A = arith.constant 4 : i32
        %swap3A_110 = arith.index_cast %swap3A : i32 to index
        %swap3A_111 = arith.index_cast %mul3A_99 : i32 to index
        %swap3A_112 = tpu.vector_load %arg6[%swap3A_110, %swap3A_111] {strides = array<i32>} : memref<8x1024xf32, #tpu.memory_space<vmem>>, vector<1x16xf32>,
        %swap3A_113 = vector.shape_cast %swap3A_112 : vector<1x16xf32> to vector<16xf32>
        %swap3A_114 = vector.shape_cast %add3A_109 : vector<16xf32> to vector<1x16xf32>
        tpu.vector_store %arg6[%swap3A_110, %swap3A_111], %swap3A_114 {strides = array<i32>} : memref<8x1024xf32, #tpu.memory_space<vmem>>, vector<1x16xf32>,
      }
      %scan3A_81 = arith.constant 64 : i32
      %scan3A_82 = arith.constant 0 : i32
      %scan3A_83 = arith.constant 64 : i32
      %scan3A_84 = arith.addi %scan3A_82, %scan3A_83 : i32
      %scan3A_85 = arith.constant 1 : i32
      scf.for %scan3A_97 = %scan3A_82 to %scan3A_84 step %scan3A_85  : i32 {
        %mul3A_98 = arith.constant 16 : i32
        %mul3A_99 = arith.muli %scan3A_97, %mul3A_98 : i32
        %get3A = arith.constant 5 : i32
        %get3A_100 = arith.index_cast %get3A : i32 to index
        %get3A_101 = arith.index_cast %mul3A_99 : i32 to index
        %get3A_102 = tpu.vector_load %arg6[%get3A_100, %get3A_101] {strides = array<i32>} : memref<8x1024xf32, #tpu.memory_space<vmem>>, vector<1x16xf32>,
        %get3A_103 = vector.shape_cast %get3A_102 : vector<1x16xf32> to vector<16xf32>
        %get3A_104 = arith.constant 5 : i32
        %get3A_105 = arith.index_cast %get3A_104 : i32 to index
        %get3A_106 = arith.index_cast %mul3A_99 : i32 to index
        %get3A_107 = tpu.vector_load %arg7[%get3A_105, %get3A_106] {strides = array<i32>} : memref<8x1024xf32, #tpu.memory_space<vmem>>, vector<1x16xf32>,
        %get3A_108 = vector.shape_cast %get3A_107 : vector<1x16xf32> to vector<16xf32>
        %add3A_109 = arith.addf %get3A_103, %get3A_108 : vector<16xf32>
        %swap3A = arith.constant 5 : i32
        %swap3A_110 = arith.index_cast %swap3A : i32 to index
        %swap3A_111 = arith.index_cast %mul3A_99 : i32 to index
        %swap3A_112 = tpu.vector_load %arg6[%swap3A_110, %swap3A_111] {strides = array<i32>} : memref<8x1024xf32, #tpu.memory_space<vmem>>, vector<1x16xf32>,
        %swap3A_113 = vector.shape_cast %swap3A_112 : vector<1x16xf32> to vector<16xf32>
        %swap3A_114 = vector.shape_cast %add3A_109 : vector<16xf32> to vector<1x16xf32>
        tpu.vector_store %arg6[%swap3A_110, %swap3A_111], %swap3A_114 {strides = array<i32>} : memref<8x1024xf32, #tpu.memory_space<vmem>>, vector<1x16xf32>,
      }
      %scan3A_86 = arith.constant 64 : i32
      %scan3A_87 = arith.constant 0 : i32
      %scan3A_88 = arith.constant 64 : i32
      %scan3A_89 = arith.addi %scan3A_87, %scan3A_88 : i32
      %scan3A_90 = arith.constant 1 : i32
      scf.for %scan3A_97 = %scan3A_87 to %scan3A_89 step %scan3A_90  : i32 {
        %mul3A_98 = arith.constant 16 : i32
        %mul3A_99 = arith.muli %scan3A_97, %mul3A_98 : i32
        %get3A = arith.constant 6 : i32
        %get3A_100 = arith.index_cast %get3A : i32 to index
        %get3A_101 = arith.index_cast %mul3A_99 : i32 to index
        %get3A_102 = tpu.vector_load %arg6[%get3A_100, %get3A_101] {strides = array<i32>} : memref<8x1024xf32, #tpu.memory_space<vmem>>, vector<1x16xf32>,
        %get3A_103 = vector.shape_cast %get3A_102 : vector<1x16xf32> to vector<16xf32>
        %get3A_104 = arith.constant 6 : i32
        %get3A_105 = arith.index_cast %get3A_104 : i32 to index
        %get3A_106 = arith.index_cast %mul3A_99 : i32 to index
        %get3A_107 = tpu.vector_load %arg7[%get3A_105, %get3A_106] {strides = array<i32>} : memref<8x1024xf32, #tpu.memory_space<vmem>>, vector<1x16xf32>,
        %get3A_108 = vector.shape_cast %get3A_107 : vector<1x16xf32> to vector<16xf32>
        %add3A_109 = arith.addf %get3A_103, %get3A_108 : vector<16xf32>
        %swap3A = arith.constant 6 : i32
        %swap3A_110 = arith.index_cast %swap3A : i32 to index
        %swap3A_111 = arith.index_cast %mul3A_99 : i32 to index
        %swap3A_112 = tpu.vector_load %arg6[%swap3A_110, %swap3A_111] {strides = array<i32>} : memref<8x1024xf32, #tpu.memory_space<vmem>>, vector<1x16xf32>,
        %swap3A_113 = vector.shape_cast %swap3A_112 : vector<1x16xf32> to vector<16xf32>
        %swap3A_114 = vector.shape_cast %add3A_109 : vector<16xf32> to vector<1x16xf32>
        tpu.vector_store %arg6[%swap3A_110, %swap3A_111], %swap3A_114 {strides = array<i32>} : memref<8x1024xf32, #tpu.memory_space<vmem>>, vector<1x16xf32>,
      }
      %scan3A_91 = arith.constant 64 : i32
      %scan3A_92 = arith.constant 0 : i32
      %scan3A_93 = arith.constant 64 : i32
      %scan3A_94 = arith.addi %scan3A_92, %scan3A_93 : i32
      %scan3A_95 = arith.constant 1 : i32
      scf.for %scan3A_97 = %scan3A_92 to %scan3A_94 step %scan3A_95  : i32 {
        %mul3A_98 = arith.constant 16 : i32
        %mul3A_99 = arith.muli %scan3A_97, %mul3A_98 : i32
        %get3A = arith.constant 7 : i32
        %get3A_100 = arith.index_cast %get3A : i32 to index
        %get3A_101 = arith.index_cast %mul3A_99 : i32 to index
        %get3A_102 = tpu.vector_load %arg6[%get3A_100, %get3A_101] {strides = array<i32>} : memref<8x1024xf32, #tpu.memory_space<vmem>>, vector<1x16xf32>,
        %get3A_103 = vector.shape_cast %get3A_102 : vector<1x16xf32> to vector<16xf32>
        %get3A_104 = arith.constant 7 : i32
        %get3A_105 = arith.index_cast %get3A_104 : i32 to index
        %get3A_106 = arith.index_cast %mul3A_99 : i32 to index
        %get3A_107 = tpu.vector_load %arg7[%get3A_105, %get3A_106] {strides = array<i32>} : memref<8x1024xf32, #tpu.memory_space<vmem>>, vector<1x16xf32>,
        %get3A_108 = vector.shape_cast %get3A_107 : vector<1x16xf32> to vector<16xf32>
        %add3A_109 = arith.addf %get3A_103, %get3A_108 : vector<16xf32>
        %swap3A = arith.constant 7 : i32
        %swap3A_110 = arith.index_cast %swap3A : i32 to index
        %swap3A_111 = arith.index_cast %mul3A_99 : i32 to index
        %swap3A_112 = tpu.vector_load %arg6[%swap3A_110, %swap3A_111] {strides = array<i32>} : memref<8x1024xf32, #tpu.memory_space<vmem>>, vector<1x16xf32>,
        %swap3A_113 = vector.shape_cast %swap3A_112 : vector<1x16xf32> to vector<16xf32>
        %swap3A_114 = vector.shape_cast %add3A_109 : vector<16xf32> to vector<1x16xf32>
        tpu.vector_store %arg6[%swap3A_110, %swap3A_111], %swap3A_114 {strides = array<i32>} : memref<8x1024xf32, #tpu.memory_space<vmem>>, vector<1x16xf32>,
      }
      %scan3A_96 = arith.constant 64 : i32
      "tpu.region"() ({
        %run_scoped3A = tpu.sem_alloc : memref<!tpu.dma_semaphore, #tpu.memory_space<semaphore_mem>>
        %dma_start3A_97 = arith.constant 16384 : i32
        %dma_start3A_98 = arith.constant 0 : i32
        %dma_start3A_99 = tpu.memref_slice %arg4[%dma_start3A_97, %dma_start3A_98] : memref<49152x1024xf32, #tpu.memory_space<hbm>> -> memref<8x1024xf32, #tpu.memory_space<hbm>>
        %dma_start3A_100 = arith.constant 16384 : i32
        %dma_start3A_101 = arith.constant 0 : i32
        %dma_start3A_102 = tpu.memref_slice %arg4[%dma_start3A_100, %dma_start3A_101] : memref<49152x1024xf32, #tpu.memory_space<hbm>> -> memref<8x1024xf32, #tpu.memory_space<hbm>>
        tpu.enqueue_dma source(%arg6 : memref<8x1024xf32, #tpu.memory_space<vmem>>) target(%dma_start3A_102 : memref<8x1024xf32, #tpu.memory_space<hbm>>) target_semaphore(%run_scoped3A : memref<!tpu.dma_semaphore, #tpu.memory_space<semaphore_mem>>)
        %dma_wait3A_103 = arith.constant 16384 : i32
        %dma_wait3A_104 = arith.constant 0 : i32
        %dma_wait3A_105 = tpu.memref_slice %arg4[%dma_wait3A_103, %dma_wait3A_104] : memref<49152x1024xf32, #tpu.memory_space<hbm>> -> memref<8x1024xf32, #tpu.memory_space<hbm>>
        %dma_wait3A_106 = arith.constant 16384 : i32
        %dma_wait3A_107 = arith.constant 0 : i32
        %dma_wait3A_108 = tpu.memref_slice %arg4[%dma_wait3A_106, %dma_wait3A_107] : memref<49152x1024xf32, #tpu.memory_space<hbm>> -> memref<8x1024xf32, #tpu.memory_space<hbm>>
        tpu.wait_dma2 semaphore(%run_scoped3A : memref<!tpu.dma_semaphore, #tpu.memory_space<semaphore_mem>>) src(%arg6 : memref<8x1024xf32, #tpu.memory_space<vmem>>) dst(%dma_wait3A_108 : memref<8x1024xf32, #tpu.memory_space<hbm>>)
        tpu.yield
      }) : () -> ()
    } else {
    }
    return
  }
}

</mosaic_0001>

<sc_bundles>
// kernel: _sc_call.3.cloned.1.call-start
scs
__scs_entry_jumppad:
0x0: {  	(pc) =	sbr.rel $0x88, $3  }
0x1: {  	(tag) =	ssettag $0x0;
	lr =	simm.s32 $0x1  }
0x2: {  	[smem:$0x3F9F] =	sst lr;
	_ =	strace $0xD0000000  }
0x3: {  	_ = 	snop  }
0x4: {  	_ = 	snop  }
0x5: {  	_ = 	snop  }
0x6: {  	_ = 	snop  }
0x7: {  	_ = 	snop  }
__scs_overlays_trampoline_lowered:
0x8: {  	[smem:$0x3FAE] =	sst s0  }
0x9: {  	[smem:$0x3FAF] =	sst s1  }
0xa: {  	[smem:$0x3FB0] =	sst s2  }
0xb: {  	[smem:$0x3FB1] =	sst s3  }
0xc: {  	[smem:$0x3FB2] =	sst s4  }
0xd: {  	[smem:$0x3FB3] =	sst s5  }
0xe: {  	[smem:$0x3FB4] =	sst s6  }
0xf: {  	[smem:$0x3FB5] =	sst s7  }
0x10: {  	[smem:$0x3FB6] =	sst s8  }
0x11: {  	[smem:$0x3FB7] =	sst s9;
	s0 =	simm.s32 @!p0 $0x0  }
0x12: {  	s1 =	sld [smem:$0x3F9D];
	s0 =	simm.s32 @p0 $0x1  }
0x13: {  	[smem:$0x3FB8] =	sst s0;
	s0 =	simm.s32 @!p1 $0x0  }
0x14: {  	s2 =	sld [smem:$0x3F9C];
	s0 =	simm.s32 @p1 $0x1  }
0x15: {  	[smem:$0x3FB9] =	sst s0;
	s0 =	simm.s32 @!p2 $0x0  }
0x16: {  	s3 =	sld [smem:$0x3FDB];
	s0 =	simm.s32 @p2 $0x1  }
0x17: {  	s4 =	simm.s32 $0x1BF5;
	[smem:$0x3FBB] =	sst s0  }
0x18: {  	s0 =	sld [smem:$0x3F9E];
	_ =	swait.ge [sflag:s4], $0x0  }
0x19: {  	s7 =	sld [smem:$0x3F9F]  }
0x1a: {  	s8 =	sadd.s32 $0xFFFFE003, lr  }
0x1b: {  	s9 =	sadd.s32 $0xFFFFFEF7, lr;
	s5 =	simm.s32 $0xFFFFFFFF;
	p2 =	slt.u32 s8, $0xFFFFF086  }
0x1c: {  	p1 =	slt.u32 s9, $0xF7A;
	s5 =	simm.s32 @!p2 $0x0  }
0x1d: {  	s5 =	simm.s32 @p1 $0x1;
	p0 =	seq.s32 s7, s2  }
0x1e: {  	s7 =	smul.u32 @!p0 $0xF7A, s2;
	p2 =	seq.s32 @!p0 s5, $0x0  }
0x1f: {  	s9 =	smul.u32 $0xF7A, s1;
	s8 =	simm.s32 @!p0 $0x1BF5;
	p2 =	por !p2, p0  }
0x20: {  	[sflag:s8] =	ssyncset.s32 @!p0 $0xFFFFF086;
	s6 =	sadd.s32 @!p0 s3, s7;
	s7 =	simm.s32 @!p0 $0x108  }
0x21: {  	s3 =	sadd.s32 s3, s9;
	s6 =	sadd.s32 @!p0 $0x88, s6;
	s7 =	simm.s32 @p2 $0x1082  }
0x22: {  	[simem:s7], [sflag:s8] =	dma.local @!p0 [hbm:s6], $0xF7A  }
0x23: {  	s9 =	sor.u32 $0xD0000000, s2;
	s6 =	simm.s32 $0x108;
	_ =	swait.ge @!p0 [sflag:s8], $0x0  }
0x24: {  	s3 =	sadd.s32 $0x88, s3;
	s6 =	simm.s32 @!p1 $0x1082;
	[sflag:s4] =	ssyncset.s32 $0xFFFFF086  }
0x25: {  	[simem:s6], [sflag:s4] =	dma.local [hbm:s3], $0xF7A  }
0x26: {  	[smem:$0x3F9F] =	sst s1;
	(tag) =	ssettag s2;
	_ =	strace s9  }
0x27: {  	s1 =	sld [smem:$0x3FAF]  }
0x28: {  	s2 =	sld [smem:$0x3FB0]  }
0x29: {  	s4 =	sld [smem:$0x3FB2]  }
0x2a: {  	p0 =	seq.s32 s5, $0x0;
	s5 =	sld [smem:$0x3FB3]  }
0x2b: {  	s6 =	sld [smem:$0x3FB4]  }
0x2c: {  	s7 =	sld [smem:$0x3FB5]  }
0x2d: {  	s3 =	simm.s32 $0x108;
	s8 =	sld [smem:$0x3FB6]  }
0x2e: {  	s3 =	simm.s32 @!p0 $0x1082;
	s9 =	sld [smem:$0x3FB7]  }
0x2f: {  	lr =	sadd.s32 s0, s3;
	s0 =	sld [smem:$0x3FAE]  }
0x30: {  	s3 =	sld [smem:$0x3FB1]  }
0x31: {  	[smem:$0x3FBA] =	sst s10  }
0x32: {  	s10 =	sld [smem:$0x3FB8];
	_ =	sdelay $0x3  }
0x33: {  	p0 =	seq.s32 s10, $0x1;
	s10 =	sld [smem:$0x3FBA];
	_ =	sdelay $0x3  }
0x34: {  	[smem:$0x3FBA] =	sst s10  }
0x35: {  	s10 =	sld [smem:$0x3FB9];
	_ =	sdelay $0x3  }
0x36: {  	p1 =	seq.s32 s10, $0x1;
	s10 =	sld [smem:$0x3FBA];
	_ =	sdelay $0x3  }
0x37: {  	[smem:$0x3FBA] =	sst s10  }
0x38: {  	s10 =	sld [smem:$0x3FBB]  }
0x39: {  	_ = 	snop;
	(pc) =	sbr.ind lr, $3  }
0x3a: {  	_ = 	snop  }
0x3b: {  	_ = 	snop  }
0x3c: {  	p2 =	seq.s32 s10, $0x1;
	s10 =	sld [smem:$0x3FBA]  }
0x3d: {  	_ =	shalt  }
0x3e: {  	_ =	shalt  }
0x3f: {  	_ =	shalt  }
0x40: {  	_ =	shalt  }
0x41: {  	_ =	shalt  }
0x42: {  	_ =	shalt  }
0x43: {  	_ =	shalt  }
0x44: {  	_ =	shalt  }
0x45: {  	_ =	shalt  }
0x46: {  	_ =	shalt  }
0x47: {  	_ =	shalt  }
0x48: {  	_ =	shalt  }
0x49: {  	_ =	shalt  }
0x4a: {  	_ =	shalt  }
0x4b: {  	_ =	shalt  }
0x4c: {  	_ =	shalt  }
0x4d: {  	_ =	shalt  }
0x4e: {  	_ =	shalt  }
0x4f: {  	_ =	shalt  }
0x50: {  	_ =	shalt  }
0x51: {  	_ =	shalt  }
0x52: {  	_ =	shalt  }
0x53: {  	_ =	shalt  }
0x54: {  	_ =	shalt  }
0x55: {  	_ =	shalt  }
0x56: {  	_ =	shalt  }
0x57: {  	_ =	shalt  }
0x58: {  	_ =	shalt  }
0x59: {  	_ =	shalt  }
0x5a: {  	_ =	shalt  }
0x5b: {  	_ =	shalt  }
0x5c: {  	_ =	shalt  }
0x5d: {  	_ =	shalt  }
0x5e: {  	_ =	shalt  }
0x5f: {  	_ =	shalt  }
0x60: {  	_ =	shalt  }
0x61: {  	_ =	shalt  }
0x62: {  	_ =	shalt  }
0x63: {  	_ =	shalt  }
0x64: {  	_ =	shalt  }
0x65: {  	_ =	shalt  }
0x66: {  	_ =	shalt  }
0x67: {  	_ =	shalt  }
0x68: {  	_ =	shalt  }
0x69: {  	_ =	shalt  }
0x6a: {  	_ =	shalt  }
0x6b: {  	_ =	shalt  }
0x6c: {  	_ =	shalt  }
0x6d: {  	_ =	shalt  }
0x6e: {  	_ =	shalt  }
0x6f: {  	_ =	shalt  }
0x70: {  	_ =	shalt  }
0x71: {  	_ =	shalt  }
0x72: {  	_ =	shalt  }
0x73: {  	_ =	shalt  }
0x74: {  	_ =	shalt  }
0x75: {  	_ =	shalt  }
0x76: {  	_ =	shalt  }
0x77: {  	_ =	shalt  }
0x78: {  	_ =	shalt  }
0x79: {  	_ =	shalt  }
0x7a: {  	_ =	shalt  }
0x7b: {  	_ =	shalt  }
0x7c: {  	_ =	shalt  }
0x7d: {  	_ =	shalt  }
0x7e: {  	_ =	shalt  }
0x7f: {  	_ =	shalt  }
0x80: {  	_ =	shalt  }
0x81: {  	_ =	shalt  }
0x82: {  	_ =	shalt  }
0x83: {  	_ =	shalt  }
0x84: {  	_ =	shalt  }
0x85: {  	_ =	shalt  }
0x86: {  	_ =	shalt  }
0x87: {  	_ =	shalt  }
.Lfunc_end0:
.L_simem_size_0:
called_computation_lowered:
.L_overlay_start_0:
0x88: {  	s2 =	sld [smem:$0x3FD9]  }
0x89: {  	s3 =	sld [smem:$0x3FFE];
	_ =	sdelay $0x1  }
0x8a: {  	s1 =	srdreg.scid  }
0x8b: {  	s0 =	sand.u32 $0x1, s1  }
0x8c: {  	s18 =	sshll.u32 s0, $0xA;
	s2 =	sadd.s32 s3, s2  }
0x8d: {  	s2 =	sadd.s32 s2, s18  }
0x8e: {  	[smem:$0x3FC6] =	sst s2  }
0x8f: {  	_ = 	snop  }
0x90: {  	s2 =	sld [smem:$0x3FC9]  }
0x91: {  	s19 =	sld [smem:$0x3FC8]  }
0x92: {  	s4 =	sld [smem:$0x3FD0];
	(tm) =	ssettm $0x1  }
0x93: {  	s5 =	sld [smem:$0x3FFB];
	_ =	sdelay $0x3  }
0x94: {  	_ =	strace s5  }
0x95: {  	s5 =	sld [smem:$0x3FFC];
	_ =	sdelay $0x3  }
0x96: {  	_ =	strace s5  }
0x97: {  	s5 =	sld [smem:$0x3FFD];
	_ =	sdelay $0x3  }
0x98: {  	_ =	strace s5  }
0x99: {  	_ =	strace $0x8FFFFFFF  }
0x9a: {  	s20 =	sld [smem:$0x3FDB];
	_ =	sdelay $0x1  }
0x9b: {  	s6 =	simm.s32 $_scs_section_size  }
0x9c: {  	s7 =	simm.s32 $_size__tile_overlayer_lowered;
	s8 =	simm.s32 $_tile_overlayer_lowered  }
0x9d: {  	s23 =	simm.s32 $0x1BFF;
	s22 =	sshll.u32 s8, $0x1;
	s5 =	sadd.s32 s6, s20  }
0x9e: {  	s9 =	simm.s32 $0x0;
	s21 =	sshll.u32 s7, $0x1;
	s7 =	sadd.s32 s22, s5  }
0x9f: {  	[timem:s9], [sflag:s23] =	dma.local [hbm:s7], s21  }
0xa0: {  	_ =	swait.ge [sflag:s23], s21  }
0xa1: {  	s6 =	ssub.s32 $0x0, s21;
	[sflag:s23] =	ssyncset.done $0x0  }
0xa2: {  	[sflag:s23] =	ssyncadd.s32 s6;
	_ =	sdelay $0x1  }
0xa3: {  	s24 =	simm.s32 $0x1B8B  }
0xa4: {  	_ =	swait.ge [sflag:s24], $0x1  }
0xa5: {  	[sflag:s24] =	ssyncset.done $0x0  }
0xa6: {  	s25 =	simm.s32 $0x1B8E;
	[sflag:s24] =	ssyncadd.s32 $0xFFFFFFFF  }
0xa7: {  	s26 =	simm.s32 $execute0_lowered;
	[smem:$0x3FD2] =	sst s25  }
0xa8: {  	s6 =	sshll.u32 s26, $0x1;
	_ =	strace $0x80000046;
	[dreg:$0x1] =	wrdreg $0xFFFFFFFF  }
0xa9: {  	s28 =	simm.s32 $_size_execute0_lowered;
	s5 =	sadd.s32 s5, s6;
	[dreg:$0x0] =	wrdreg $0x0  }
0xaa: {  	s6 =	sshll.u32 s28, $0x1;
	[dreg:$0x2] =	wrdreg s5  }
0xab: {  	[dreg:$0x3] =	wrdreg s6  }
0xac: {  	[dreg:$0x4] =	wrdreg $0xC0  }
0xad: {  	_ =	task [dreg:s9], $0x5FFFF  }
0xae: {  	[dreg:$0x1] =	wrdreg $0xFFFFFFFF  }
0xaf: {  	[dreg:$0x0] =	wrdreg $0x60  }
0xb0: {  	[dreg:$0x2] =	wrdreg s2  }
0xb1: {  	[dreg:$0x3] =	wrdreg s19  }
0xb2: {  	[dreg:$0x4] =	wrdreg s4  }
0xb3: {  	[dreg:$0x5] =	wrdreg $0x9  }
0xb4: {  	_ =	task.clear_ibuf [dreg:s9], $0x6FFFF;
	_ =	strace $0x90000046  }
0xb5: {  	s29 =	simm.s32 $0x9;
	_ =	strace $0x80000048  }
0xb6: {  	_ =	swait.ge [sflag:s29], $0x1  }
0xb7: {  	[sflag:s29] =	ssyncadd.s32 $0xFFFFFFFF  }
0xb8: {  	_ =	strace $0x90000048  }
0xb9: {  	_ =	sfence  }
0xba: {  	s30 =	sld [smem:$0x0];
	_ =	sdelay $0x2  }
0xbb: {  	s31 =	sshll.u32 s1, $0xD;
	s1 =	sshrl.u32 s1, $0x2  }
0xbc: {  	s3 =	sand.u32 $0x4000, s31;
	s1 =	sadd.s32 s1, s30  }
0xbd: {  	s0 =	sor.u32 s3, s0;
	s1 =	sshll.u32 s1, $0x11  }
0xbe: {  	s0 =	sor.u32 s1, s0  }
0xbf: {  	s0 =	sadd.s32 $0x8F2B, s0  }
0xc0: {  	[sflag:s0] =	ssyncadd.remote.s32 $0x1  }
0xc1: {  	_ =	sfence.sel $0xFFFF  }
0xc2: {  	[dreg:$0x0] =	wrdreg $0xFFFFFFFF;
	(pc) =	sbr.abs _section_cstart, $3  }
0xc3: {  	[dreg:$0x1] =	wrdreg $0xFFFFFFFF  }
0xc4: {  	_ =	task.clear_ibuf [dreg:s9], $0x2FFFF;
	_ =	strace $0x9FFFFFFF  }
0xc5: {  	(tm) =	ssettm $0x7FFFFFFF  }
tec
execute0_lowered:
.L_overlay_start_1:
0x0: {  	(tag) =	ssettag $0x1  }
0x1: {  	s0 =	rddreg [dreg:$0x0]  }
0x2: {  	s10 =	rddreg [dreg:$0x1]  }
0x3: {  	s20 =	rddreg [dreg:$0x2]  }
0x4: {  	s1 =	srdreg.scid;
	s3 =	stileid.u32  }
0x5: {  	s4 =	simm.s32 $0x0;
	s21 =	simm.s32 $0x8000;
	s22 =	simm.s32 $0x1  }
0x6: {  	s23 =	simm.s32 $0x10000;
	s24 =	simm.s32 $0x2;
	s12 =	smul.u32 $0x300000, s3  }
0x7: {  	s29 =	simm.s32 $0x0;
	s1 =	sand.u32 $0x1, s1;
	s17 =	smul.u32 $0x60000, s3  }
0x8: {  	s2 =	sshll.u32 s3, $0x1;
	[smem:$0x7FF] =	sst s4;
	s14 =	smul.u32 $0x180000, s1  }
0x9: {  	s5 =	ssub.s32 $0x2, s1;
	s2 =	sor.u32 s1, s2;
	s1 =	smul.u32 $0x30000, s1  }
0xa: {  	s10 =	sadd.s32 $0x400, s10;
	_ =	strace $0x80000047;
	s7 =	smul.u32 $0x30000, s2  }
0xb: {  	[dreg:$0x4] =	wrdreg s10;
	s6 =	sshrl.u32 s5, $0x1;
	s9 =	smul.u32 $0x180000, s2  }
0xc: {  	s19 =	sadd.s32 s17, s20;
	p0 =	seq.s32 s2, $0xA;
	p1 =	sne.s32 s2, $0x0  }
0xd: {  	s8 =	ssub.s32 s5, s6;
	s6 =	sadd.s32 $0x200000, s20;
	s26 =	sadd.s32 s14, s12  }
0xe: {  	s1 =	sadd.s32 s1, s19;
	s5 =	sadd.s32 s0, s7;
	s8 =	smax.u32 s8, $0x1  }
0xf: {  	s25 =	sor.u32 $0x8000, s9;
	s11 =	sor.u32 $0x10000, s9;
	s15 =	sor.u32 $0x18000, s9  }
0x10: {  	s10 =	sadd.s32 s20, s7;
	s30 =	sor.u32 $0x30000, s26;
	s31 =	sor.u32 $0x28000, s26  }
0x11: {  	s7 =	sor.u32 $0x20000, s26;
	s26 =	simm.s32 $0x3;
	s13 =	sshrl.u32 s25, $0x3  }
0x12: {  	s16 =	sshrl.u32 s11, $0x3;
	s28 =	sshrl.u32 s15, $0x3;
	s15 =	sshrl.u32 s30, $0x3  }
.Ltmp0:
0x13: {  	s18 =	sshrl.u32 s31, $0x3;
	s7 =	sshrl.u32 s7, $0x3;
	(pc) =	sbr.rel .LBB2_1-.Ltmp0, $4  }
0x14: {  	s25 =	simm.s32 $0x18000;
	s9 =	sadd.s32 s0, s13;
	s11 =	sadd.s32 s0, s16  }
0x15: {  	s12 =	sadd.s32 s20, s13;
	s13 =	sadd.s32 s0, s28;
	s14 =	sadd.s32 s20, s16  }
0x16: {  	s15 =	sadd.s32 s15, s0;
	s16 =	sadd.s32 s18, s20;
	s17 =	sadd.s32 s18, s0  }
0x17: {  	s18 =	sadd.s32 s7, s20;
	s19 =	sadd.s32 s7, s0;
	s20 =	sadd.s32 $0x3000, s1  }
.LBB2_39:
0x18: {  	_ =	swait.ge [sflag:s26], $0x2000  }
0x19: {  	[sflag:s26] =	ssyncset.done $0x0  }
0x1a: {  	[sflag:s26] =	ssyncadd.s32 $0xFFFFE000  }
.LBB2_40:
0x1b: {  	s29 =	sadd.s32 $0x1, s29  }
0x1c: {  	p2 =	sne.s32 s29, s8  }
.Ltmp1:
0x1d: {  	_ = 	snop;
	(pc) =	sbr.rel @!p2 .LBB2_41-.Ltmp1, $1  }
0x1e: {  	_ =	sdelay $0x3  }
.LBB2_1:
0x1f: {  	[tilespmem:s4], [sflag:$0x1] =	stream.linear.gather [hbm4b:s5+s4], $0x8000, $0x38;
	[tilespmem:$0x1C000] =	vst v63  }
0x20: {  	_ = 	snop  }
0x21: {  	[tilespmem:s21], [sflag:$0x1] =	stream.linear.gather [hbm4b:s9+s4], $0x8000, $0x38;
	[tilespmem:$0x1C000] =	vst v63  }
0x22: {  	_ =	swait.ge [sflag:s22], $0x8000  }
0x23: {  	[sflag:s22] =	ssyncset.done $0x0  }
0x24: {  	[sflag:s22] =	ssyncadd.s32 $0xFFFF8000  }
0x25: {  	[hbm4b:s10+s4] =	stream.linear.scatter [tilespmem:s4], [sflag:$0x2], $0x8000, $0x38;
	[tilespmem:$0x1C000] =	vst v63  }
0x26: {  	_ = 	snop  }
0x27: {  	[tilespmem:s23], [sflag:$0x1] =	stream.linear.gather [hbm4b:s11+s4], $0x8000, $0x38;
	[tilespmem:$0x1C000] =	vst v63  }
0x28: {  	_ =	swait.ge [sflag:s22], $0x8000  }
0x29: {  	[sflag:s22] =	ssyncset.done $0x0  }
0x2a: {  	[sflag:s22] =	ssyncadd.s32 $0xFFFF8000  }
0x2b: {  	[hbm4b:s12+s4] =	stream.linear.scatter [tilespmem:s21], [sflag:$0x2], $0x8000, $0x38;
	[tilespmem:$0x1C000] =	vst v63  }
0x2c: {  	_ =	swait.ge [sflag:s24], $0x8000  }
0x2d: {  	[sflag:s24] =	ssyncset.done $0x0  }
0x2e: {  	[sflag:s24] =	ssyncadd.s32 $0xFFFF8000  }
0x2f: {  	[tilespmem:s4], [sflag:$0x1] =	stream.linear.gather [hbm4b:s13+s4], $0x8000, $0x38;
	[tilespmem:$0x1C000] =	vst v63  }
0x30: {  	_ =	swait.ge [sflag:s22], $0x8000  }
0x31: {  	[sflag:s22] =	ssyncset.done $0x0  }
0x32: {  	[sflag:s22] =	ssyncadd.s32 $0xFFFF8000  }
0x33: {  	[hbm4b:s14+s4] =	stream.linear.scatter [tilespmem:s23], [sflag:$0x2], $0x8000, $0x38;
	[tilespmem:$0x1C000] =	vst v63  }
0x34: {  	_ =	swait.ge [sflag:s24], $0x8000  }
0x35: {  	[sflag:s24] =	ssyncset.done $0x0  }
0x36: {  	s0 =	sadd.s32 $0x0, s19;
	[sflag:s24] =	ssyncadd.s32 $0xFFFF8000  }
0x37: {  	[tilespmem:s21], [sflag:$0x1] =	stream.linear.gather [hbm4b:s0+s4], $0x8000, $0x38;
	[tilespmem:$0x1C000] =	vst v63  }
0x38: {  	_ =	swait.ge [sflag:s22], $0x8000  }
0x39: {  	[sflag:s22] =	ssyncset.done $0x0  }
0x3a: {  	s7 =	sadd.s32 $0x0, s20;
	[sflag:s22] =	ssyncadd.s32 $0xFFFF8000  }
0x3b: {  	[hbm4b:s7+s4] =	stream.linear.scatter [tilespmem:s4], [sflag:$0x2], $0x8000, $0x38;
	[tilespmem:$0x1C000] =	vst v63  }
0x3c: {  	_ =	swait.ge [sflag:s24], $0x8000  }
0x3d: {  	[sflag:s24] =	ssyncset.done $0x0  }
0x3e: {  	s28 =	sadd.s32 $0x0, s17;
	[sflag:s24] =	ssyncadd.s32 $0xFFFF8000  }
0x3f: {  	[tilespmem:s23], [sflag:$0x1] =	stream.linear.gather [hbm4b:s28+s4], $0x8000, $0x38;
	[tilespmem:$0x1C000] =	vst v63  }
0x40: {  	_ =	swait.ge [sflag:s22], $0x8000  }
0x41: {  	[sflag:s22] =	ssyncset.done $0x0  }
0x42: {  	s31 =	sadd.s32 $0x0, s18;
	[sflag:s22] =	ssyncadd.s32 $0xFFFF8000  }
0x43: {  	[hbm4b:s31+s4] =	stream.linear.scatter [tilespmem:s21], [sflag:$0x2], $0x8000, $0x38;
	[tilespmem:$0x1C000] =	vst v63  }
0x44: {  	_ =	swait.ge [sflag:s24], $0x8000  }
0x45: {  	p2 =	por $0x0, $0x0;
	[sflag:s24] =	ssyncset.done $0x0  }
0x46: {  	s1 =	simm.s32 @!p2 $0x0;
	s0 =	sadd.s32 @!p2 $0x0, s15;
	[sflag:s24] =	ssyncadd.s32 $0xFFFF8000  }
0x47: {  	[tilespmem:s1], [sflag:$0x1] =	stream.linear.gather @!p2 [hbm4b:s0+s1], $0x8000, $0x38;
	[tilespmem:$0x1C000] =	vst v63  }
0x48: {  	_ =	swait.ge [sflag:s22], $0x8000  }
0x49: {  	[sflag:s22] =	ssyncset.done $0x0  }
0x4a: {  	s30 =	simm.s32 $0x3000;
	s0 =	sadd.s32 $0x0, s16;
	[sflag:s22] =	ssyncadd.s32 $0xFFFF8000  }
.LBB2_2:
0x4b: {  	[hbm4b:s0+s4] =	stream.linear.scatter [tilespmem:s23], [sflag:$0x2], $0x8000, $0x38;
	[tilespmem:$0x1C000] =	vst v63  }
0x4c: {  	s0 =	smov.u32 s30;
	s30 =	sadd.s32 $0x3000, s30  }
0x4d: {  	p2 =	sne.s32 s30, $0x2D000;
	_ =	swait.ge [sflag:s24], $0x8000  }
0x4e: {  	[sflag:s24] =	ssyncset.done $0x0  }
0x4f: {  	s1 =	sadd.s32 s0, s19;
	[sflag:s24] =	ssyncadd.s32 $0xFFFF8000  }
0x50: {  	[tilespmem:s21], [sflag:$0x1] =	stream.linear.gather [hbm4b:s1+s4], $0x8000, $0x38;
	[tilespmem:$0x1C000] =	vst v63  }
0x51: {  	_ =	swait.ge [sflag:s22], $0x8000  }
0x52: {  	[sflag:s22] =	ssyncset.done $0x0  }
0x53: {  	s1 =	sadd.s32 s0, s20;
	[sflag:s22] =	ssyncadd.s32 $0xFFFF8000  }
0x54: {  	[hbm4b:s1+s4] =	stream.linear.scatter [tilespmem:s4], [sflag:$0x2], $0x8000, $0x38;
	[tilespmem:$0x1C000] =	vst v63  }
0x55: {  	_ =	swait.ge [sflag:s24], $0x8000  }
0x56: {  	[sflag:s24] =	ssyncset.done $0x0  }
0x57: {  	s1 =	sadd.s32 s0, s17;
	[sflag:s24] =	ssyncadd.s32 $0xFFFF8000  }
0x58: {  	[tilespmem:s23], [sflag:$0x1] =	stream.linear.gather [hbm4b:s1+s4], $0x8000, $0x38;
	[tilespmem:$0x1C000] =	vst v63  }
0x59: {  	_ =	swait.ge [sflag:s22], $0x8000  }
0x5a: {  	[sflag:s22] =	ssyncset.done $0x0  }
0x5b: {  	s1 =	sadd.s32 s0, s18;
	[sflag:s22] =	ssyncadd.s32 $0xFFFF8000  }
0x5c: {  	[hbm4b:s1+s4] =	stream.linear.scatter [tilespmem:s21], [sflag:$0x2], $0x8000, $0x38;
	[tilespmem:$0x1C000] =	vst v63  }
0x5d: {  	p3 =	seq.s32 s0, $0x2A000;
	_ =	swait.ge [sflag:s24], $0x8000  }
0x5e: {  	s2 =	simm.s32 @!p3 $0x0;
	[sflag:s24] =	ssyncset.done $0x0  }
.Ltmp2:
0x5f: {  	s1 =	sadd.s32 @!p3 s0, s15;
	[sflag:s24] =	ssyncadd.s32 $0xFFFF8000;
	(pc) =	sbr.rel @p2 .LBB2_2-.Ltmp2, $4  }
0x60: {  	[tilespmem:s2], [sflag:$0x1] =	stream.linear.gather @!p3 [hbm4b:s1+s2], $0x8000, $0x38;
	[tilespmem:$0x1C000] =	vst v63  }
0x61: {  	_ =	swait.ge [sflag:s22], $0x8000  }
0x62: {  	[sflag:s22] =	ssyncset.done $0x0  }
0x63: {  	s0 =	sadd.s32 s0, s16;
	[sflag:s22] =	ssyncadd.s32 $0xFFFF8000  }
0x64: {  	[hbm4b:s0+s4] =	stream.linear.scatter [tilespmem:s23], [sflag:$0x2], $0x8000, $0x38;
	[tilespmem:$0x1C000] =	vst v63  }
0x65: {  	_ =	swait.ge [sflag:s24], $0x8000  }
.Ltmp3:
0x66: {  	[sflag:s24] =	ssyncset.done $0x0;
	(pc) =	sbr.rel @p0 .LBB2_22-.Ltmp3, $4  }
0x67: {  	[sflag:s24] =	ssyncadd.s32 $0xFFFF8000  }
0x68: {  	_ =	swait.ge [sflag:s24], $0x8000  }
0x69: {  	[sflag:s24] =	ssyncset.done $0x0  }
0x6a: {  	[sflag:s24] =	ssyncadd.s32 $0xFFFF8000  }
.Ltmp4:
0x6b: {  	(pc) =	sbr.rel @p1 .LBB2_40-.Ltmp4, $1  }
0x6c: {  	_ =	sdelay $0x3  }
0x6d: {  	s0 =	simm.s32 $0x0;
	s1 =	rddreg [dreg:$0x2]  }
0x6e: {  	[tilespmem:s25], [sflag:$0x3] =	stream.linear.gather [hbm4b:s1+s0], $0x2000, $0x38;
	[tilespmem:$0x1C000] =	vst v63  }
0x6f: {  	_ =	swait.ge [sflag:s26], $0x2000  }
0x70: {  	[sflag:s26] =	ssyncset.done $0x0  }
0x71: {  	[sflag:s26] =	ssyncadd.s32 $0xFFFFE000  }
0x72: {  	s2 =	simm.s32 $0x1A000;
	s3 =	rddreg [dreg:$0x1]  }
0x73: {  	[tilespmem:s2], [sflag:$0x3] =	stream.linear.gather [hbm4b:s3+s0], $0x2000, $0x38;
	[tilespmem:$0x1C000] =	vst v63  }
0x74: {  	_ =	swait.ge [sflag:s26], $0x2000  }
0x75: {  	s30 =	sand.u32 $0x70, s0;
	s31 =	sand.u32 $0x1C00, s0;
	[sflag:s26] =	ssyncset.done $0x0  }
0x76: {  	s1 =	sor.u32 s30, s31;
	[sflag:s26] =	ssyncadd.s32 $0xFFFFE000  }
0x77: {  	v0 =	vld [tilespmem:s1+$0x1A000]  }
0x78: {  	v1 =	vld [tilespmem:s1+$0x18000];
	_ =	sdelay $0x3  }
0x79: {  	s7 =	simm.s32 $0x10;
	s2 =	simm.s32 $0x80  }
0x7a: {  	s0 =	sand.u32 $0x70, s7;
	s7 =	sand.u32 $0x1C00, s2;
	v0 =	vadd.f32 v0, v1  }
0x7b: {  	s28 =	sor.u32 s0, s7;
	s7 =	simm.s32 $0x20  }
.LBB2_6:
0x7c: {  	p2 =	sne.s32 s7, $0x3F0;
	v1 =	vld [tilespmem:s28+$0x1A000];
	[tilespmem:s1+$0x18000] =	vst v0;
	s1 =	smov.u32 s28  }
0x7d: {  	v0 =	vld [tilespmem:s1+$0x18000];
	_ =	sdelay $0x1  }
.Ltmp5:
0x7e: {  	(pc) =	sbr.rel @p2 .LBB2_6-.Ltmp5, $4  }
0x7f: {  	_ = 	snop  }
0x80: {  	s2 =	sadd.s32 $0x80, s2  }
0x81: {  	s28 =	sand.u32 $0x70, s7;
	s3 =	sand.u32 $0x1C00, s2;
	v0 =	vadd.f32 v1, v0  }
0x82: {  	s7 =	sadd.s32 $0x10, s7;
	s28 =	sor.u32 s28, s3  }
0x83: {  	v1 =	vld [tilespmem:s28+$0x1A000];
	[tilespmem:s1+$0x18000] =	vst v0  }
0x84: {  	v0 =	vld [tilespmem:s28+$0x18000];
	_ =	sdelay $0x4  }
0x85: {  	v0 =	vadd.f32 v1, v0;
	_ =	sdelay $0x1  }
0x86: {  	s1 =	sor.u32 s31, s30;
	[tilespmem:s28+$0x18000] =	vst v0  }
0x87: {  	v0 =	vld [tilespmem:s1+$0x1A080]  }
0x88: {  	v1 =	vld [tilespmem:s1+$0x18080];
	_ =	sdelay $0x3  }
0x89: {  	s2 =	simm.s32 $0x80  }
0x8a: {  	s3 =	sand.u32 $0x1C00, s2;
	v0 =	vadd.f32 v0, v1  }
0x8b: {  	s7 =	sor.u32 s3, s0;
	s0 =	simm.s32 $0x20  }
.LBB2_8:
0x8c: {  	p2 =	sne.s32 s0, $0x3F0;
	v1 =	vld [tilespmem:s7+$0x1A080];
	[tilespmem:s1+$0x18080] =	vst v0;
	s1 =	smov.u32 s7  }
0x8d: {  	v0 =	vld [tilespmem:s1+$0x18080];
	_ =	sdelay $0x1  }
.Ltmp6:
0x8e: {  	(pc) =	sbr.rel @p2 .LBB2_8-.Ltmp6, $4  }
0x8f: {  	_ = 	snop  }
0x90: {  	s2 =	sadd.s32 $0x80, s2  }
0x91: {  	s3 =	sand.u32 $0x70, s0;
	s7 =	sand.u32 $0x1C00, s2;
	v0 =	vadd.f32 v1, v0  }
0x92: {  	s0 =	sadd.s32 $0x10, s0;
	s7 =	sor.u32 s7, s3  }
0x93: {  	v1 =	vld [tilespmem:s7+$0x1A080];
	[tilespmem:s1+$0x18080] =	vst v0  }
0x94: {  	v0 =	vld [tilespmem:s7+$0x18080];
	_ =	sdelay $0x4  }
0x95: {  	s0 =	simm.s32 $0x0;
	v0 =	vadd.f32 v1, v0  }
0x96: {  	s3 =	sand.u32 $0x70, s0;
	s0 =	sand.u32 $0x1C00, s0  }
0x97: {  	s30 =	sor.u32 s0, s3;
	[tilespmem:s7+$0x18080] =	vst v0  }
0x98: {  	v0 =	vld [tilespmem:s30+$0x1A100]  }
0x99: {  	v1 =	vld [tilespmem:s30+$0x18100];
	_ =	sdelay $0x3  }
0x9a: {  	s28 =	simm.s32 $0x10;
	s1 =	simm.s32 $0x80  }
0x9b: {  	s2 =	sand.u32 $0x1C00, s1;
	s0 =	sand.u32 $0x70, s28;
	v0 =	vadd.f32 v0, v1  }
0x9c: {  	s31 =	simm.s32 $0x20;
	s7 =	sor.u32 s2, s0;
	s2 =	smov.u32 s30  }
.LBB2_10:
0x9d: {  	p2 =	sne.s32 s31, $0x3F0;
	v1 =	vld [tilespmem:s7+$0x1A100];
	[tilespmem:s2+$0x18100] =	vst v0;
	s2 =	smov.u32 s7  }
0x9e: {  	v0 =	vld [tilespmem:s2+$0x18100];
	_ =	sdelay $0x1  }
.Ltmp7:
0x9f: {  	(pc) =	sbr.rel @p2 .LBB2_10-.Ltmp7, $4  }
0xa0: {  	_ = 	snop  }
0xa1: {  	s1 =	sadd.s32 $0x80, s1  }
0xa2: {  	s3 =	sand.u32 $0x70, s31;
	s7 =	sand.u32 $0x1C00, s1;
	v0 =	vadd.f32 v1, v0  }
0xa3: {  	s31 =	sadd.s32 $0x10, s31;
	s7 =	sor.u32 s7, s3  }
0xa4: {  	v1 =	vld [tilespmem:s7+$0x1A100];
	[tilespmem:s2+$0x18100] =	vst v0  }
0xa5: {  	v0 =	vld [tilespmem:s7+$0x18100];
	_ =	sdelay $0x4  }
0xa6: {  	v0 =	vadd.f32 v1, v0;
	_ =	sdelay $0x1  }
0xa7: {  	[tilespmem:s7+$0x18100] =	vst v0  }
0xa8: {  	v0 =	vld [tilespmem:s30+$0x1A180]  }
0xa9: {  	v1 =	vld [tilespmem:s30+$0x18180];
	_ =	sdelay $0x3  }
0xaa: {  	s1 =	simm.s32 $0x80  }
0xab: {  	s31 =	sand.u32 $0x1C00, s1;
	v0 =	vadd.f32 v0, v1  }
0xac: {  	s2 =	sor.u32 s31, s0;
	s0 =	simm.s32 $0x20  }
.LBB2_12:
0xad: {  	p2 =	sne.s32 s0, $0x3F0;
	v1 =	vld [tilespmem:s2+$0x1A180];
	[tilespmem:s30+$0x18180] =	vst v0;
	s30 =	smov.u32 s2  }
0xae: {  	v0 =	vld [tilespmem:s30+$0x18180];
	_ =	sdelay $0x1  }
.Ltmp8:
0xaf: {  	(pc) =	sbr.rel @p2 .LBB2_12-.Ltmp8, $4  }
0xb0: {  	_ = 	snop  }
0xb1: {  	s1 =	sadd.s32 $0x80, s1  }
0xb2: {  	s2 =	sand.u32 $0x70, s0;
	s3 =	sand.u32 $0x1C00, s1;
	v0 =	vadd.f32 v1, v0  }
0xb3: {  	s0 =	sadd.s32 $0x10, s0;
	s2 =	sor.u32 s3, s2  }
0xb4: {  	v1 =	vld [tilespmem:s2+$0x1A180];
	[tilespmem:s30+$0x18180] =	vst v0  }
0xb5: {  	v0 =	vld [tilespmem:s2+$0x18180];
	_ =	sdelay $0x4  }
0xb6: {  	s0 =	simm.s32 $0x0;
	v0 =	vadd.f32 v1, v0  }
0xb7: {  	s1 =	sand.u32 $0x70, s0;
	s0 =	sand.u32 $0x1C00, s0  }
0xb8: {  	s30 =	sor.u32 s0, s1;
	[tilespmem:s2+$0x18180] =	vst v0  }
0xb9: {  	v0 =	vld [tilespmem:s30+$0x1A200]  }
0xba: {  	v1 =	vld [tilespmem:s30+$0x18200];
	_ =	sdelay $0x3  }
0xbb: {  	s7 =	simm.s32 $0x10;
	s1 =	simm.s32 $0x80  }
0xbc: {  	s0 =	sand.u32 $0x70, s7;
	s28 =	sand.u32 $0x1C00, s1;
	v0 =	vadd.f32 v0, v1  }
0xbd: {  	s31 =	simm.s32 $0x20;
	s7 =	sor.u32 s28, s0;
	s2 =	smov.u32 s30  }
.LBB2_14:
0xbe: {  	p2 =	sne.s32 s31, $0x3F0;
	v1 =	vld [tilespmem:s7+$0x1A200];
	[tilespmem:s2+$0x18200] =	vst v0;
	s2 =	smov.u32 s7  }
0xbf: {  	v0 =	vld [tilespmem:s2+$0x18200];
	_ =	sdelay $0x1  }
.Ltmp9:
0xc0: {  	(pc) =	sbr.rel @p2 .LBB2_14-.Ltmp9, $4  }
0xc1: {  	_ = 	snop  }
0xc2: {  	s1 =	sadd.s32 $0x80, s1  }
0xc3: {  	s3 =	sand.u32 $0x70, s31;
	s7 =	sand.u32 $0x1C00, s1;
	v0 =	vadd.f32 v1, v0  }
0xc4: {  	s31 =	sadd.s32 $0x10, s31;
	s7 =	sor.u32 s7, s3  }
0xc5: {  	v1 =	vld [tilespmem:s7+$0x1A200];
	[tilespmem:s2+$0x18200] =	vst v0  }
0xc6: {  	v0 =	vld [tilespmem:s7+$0x18200];
	_ =	sdelay $0x4  }
0xc7: {  	v0 =	vadd.f32 v1, v0;
	_ =	sdelay $0x1  }
0xc8: {  	[tilespmem:s7+$0x18200] =	vst v0  }
0xc9: {  	v0 =	vld [tilespmem:s30+$0x1A280]  }
0xca: {  	v1 =	vld [tilespmem:s30+$0x18280];
	_ =	sdelay $0x3  }
0xcb: {  	s1 =	simm.s32 $0x80  }
0xcc: {  	s31 =	sand.u32 $0x1C00, s1;
	v0 =	vadd.f32 v0, v1  }
0xcd: {  	s2 =	sor.u32 s31, s0;
	s0 =	simm.s32 $0x20  }
.LBB2_16:
0xce: {  	p2 =	sne.s32 s0, $0x3F0;
	v1 =	vld [tilespmem:s2+$0x1A280];
	[tilespmem:s30+$0x18280] =	vst v0;
	s30 =	smov.u32 s2  }
0xcf: {  	v0 =	vld [tilespmem:s30+$0x18280];
	_ =	sdelay $0x1  }
.Ltmp10:
0xd0: {  	(pc) =	sbr.rel @p2 .LBB2_16-.Ltmp10, $4  }
0xd1: {  	_ = 	snop  }
0xd2: {  	s1 =	sadd.s32 $0x80, s1  }
0xd3: {  	s2 =	sand.u32 $0x70, s0;
	s3 =	sand.u32 $0x1C00, s1;
	v0 =	vadd.f32 v1, v0  }
0xd4: {  	s0 =	sadd.s32 $0x10, s0;
	s2 =	sor.u32 s3, s2  }
0xd5: {  	v1 =	vld [tilespmem:s2+$0x1A280];
	[tilespmem:s30+$0x18280] =	vst v0  }
0xd6: {  	v0 =	vld [tilespmem:s2+$0x18280];
	_ =	sdelay $0x4  }
0xd7: {  	s30 =	simm.s32 $0x0;
	v0 =	vadd.f32 v1, v0  }
0xd8: {  	s0 =	sand.u32 $0x70, s30;
	s1 =	sand.u32 $0x1C00, s30  }
0xd9: {  	s0 =	sor.u32 s1, s0;
	[tilespmem:s2+$0x18280] =	vst v0  }
0xda: {  	v0 =	vld [tilespmem:s0+$0x1A300]  }
0xdb: {  	v1 =	vld [tilespmem:s0+$0x18300];
	_ =	sdelay $0x3  }
0xdc: {  	s31 =	simm.s32 $0x10;
	s1 =	simm.s32 $0x80  }
0xdd: {  	s28 =	sand.u32 $0x70, s31;
	s3 =	sand.u32 $0x1C00, s1;
	v0 =	vadd.f32 v0, v1  }
0xde: {  	s7 =	sor.u32 s3, s28;
	s2 =	simm.s32 $0x20  }
.LBB2_18:
0xdf: {  	p2 =	sne.s32 s2, $0x3F0;
	v1 =	vld [tilespmem:s7+$0x1A300];
	[tilespmem:s0+$0x18300] =	vst v0;
	s0 =	smov.u32 s7  }
0xe0: {  	v0 =	vld [tilespmem:s0+$0x18300];
	_ =	sdelay $0x1  }
.Ltmp11:
0xe1: {  	(pc) =	sbr.rel @p2 .LBB2_18-.Ltmp11, $4  }
0xe2: {  	_ = 	snop  }
0xe3: {  	s1 =	sadd.s32 $0x80, s1  }
0xe4: {  	s3 =	sand.u32 $0x70, s2;
	s7 =	sand.u32 $0x1C00, s1;
	v0 =	vadd.f32 v1, v0  }
0xe5: {  	s2 =	sadd.s32 $0x10, s2;
	s7 =	sor.u32 s7, s3  }
0xe6: {  	v1 =	vld [tilespmem:s7+$0x1A300];
	[tilespmem:s0+$0x18300] =	vst v0  }
0xe7: {  	v0 =	vld [tilespmem:s7+$0x18300];
	_ =	sdelay $0x4  }
0xe8: {  	v0 =	vadd.f32 v1, v0  }
0xe9: {  	s30 =	sor.u32 s30, s30  }
0xea: {  	s0 =	sor.u32 $0x380, s30;
	[tilespmem:s7+$0x18300] =	vst v0  }
0xeb: {  	v0 =	vld [tilespmem:s0+$0x1A000]  }
0xec: {  	v1 =	vld [tilespmem:s0+$0x18000];
	_ =	sdelay $0x3  }
0xed: {  	s1 =	simm.s32 $0x80  }
0xee: {  	s2 =	sor.u32 s1, s31;
	v0 =	vadd.f32 v0, v1  }
0xef: {  	s7 =	sor.u32 $0x380, s2;
	s2 =	simm.s32 $0x20  }
.LBB2_20:
0xf0: {  	p2 =	sne.s32 s2, $0x3F0;
	v1 =	vld [tilespmem:s7+$0x1A000];
	[tilespmem:s0+$0x18000] =	vst v0;
	s0 =	smov.u32 s7  }
0xf1: {  	v0 =	vld [tilespmem:s0+$0x18000];
	_ =	sdelay $0x1  }
.Ltmp12:
0xf2: {  	(pc) =	sbr.rel @p2 .LBB2_20-.Ltmp12, $4  }
0xf3: {  	_ = 	snop  }
0xf4: {  	s1 =	sadd.s32 $0x80, s1  }
0xf5: {  	s3 =	sor.u32 s1, s2;
	v0 =	vadd.f32 v1, v0  }
0xf6: {  	s2 =	sadd.s32 $0x10, s2;
	s7 =	sor.u32 $0x380, s3  }
0xf7: {  	v1 =	vld [tilespmem:s7+$0x1A000];
	[tilespmem:s0+$0x18000] =	vst v0  }
0xf8: {  	v0 =	vld [tilespmem:s7+$0x18000];
	_ =	sdelay $0x3  }
.Ltmp13:
0xf9: {  	_ = 	snop;
	(pc) =	sbr.rel .LBB2_39-.Ltmp13, $3  }
0xfa: {  	v0 =	vadd.f32 v1, v0;
	_ =	sdelay $0x1  }
0xfb: {  	s31 =	rddreg [dreg:$0x2];
	[tilespmem:s7+$0x18000] =	vst v0  }
0xfc: {  	[hbm4b:s31+s4] =	stream.linear.scatter [tilespmem:s25], [sflag:$0x3], $0x2000, $0x38;
	[tilespmem:$0x1C000] =	vst v63  }
.LBB2_22:
0xfd: {  	s0 =	simm.s32 $0x0  }
0xfe: {  	[tilespmem:s25], [sflag:$0x3] =	stream.linear.gather [hbm4b:s6+s0], $0x2000, $0x38;
	[tilespmem:$0x1C000] =	vst v63  }
0xff: {  	_ =	swait.ge [sflag:s26], $0x2000  }
0x100: {  	[sflag:s26] =	ssyncset.done $0x0  }
0x101: {  	s2 =	simm.s32 $0x1A000;
	s1 =	rddreg [dreg:$0x4];
	[sflag:s26] =	ssyncadd.s32 $0xFFFFE000  }
0x102: {  	[tilespmem:s2], [sflag:$0x3] =	stream.linear.gather [hbm4b:s1+s0], $0x2000, $0x38;
	[tilespmem:$0x1C000] =	vst v63  }
0x103: {  	_ =	swait.ge [sflag:s26], $0x2000  }
0x104: {  	s30 =	sand.u32 $0x70, s0;
	s31 =	sand.u32 $0x1C00, s0;
	[sflag:s26] =	ssyncset.done $0x0  }
0x105: {  	s1 =	sor.u32 s30, s31;
	[sflag:s26] =	ssyncadd.s32 $0xFFFFE000  }
0x106: {  	v0 =	vld [tilespmem:s1+$0x1A000]  }
0x107: {  	v1 =	vld [tilespmem:s1+$0x18000];
	_ =	sdelay $0x3  }
0x108: {  	s7 =	simm.s32 $0x10;
	s2 =	simm.s32 $0x80  }
0x109: {  	s0 =	sand.u32 $0x70, s7;
	s3 =	sand.u32 $0x1C00, s2;
	v0 =	vadd.f32 v0, v1  }
0x10a: {  	s7 =	simm.s32 $0x20;
	s28 =	sor.u32 s0, s3  }
.LBB2_23:
0x10b: {  	p2 =	sne.s32 s7, $0x3F0;
	v1 =	vld [tilespmem:s28+$0x1A000];
	[tilespmem:s1+$0x18000] =	vst v0;
	s1 =	smov.u32 s28  }
0x10c: {  	v0 =	vld [tilespmem:s1+$0x18000];
	_ =	sdelay $0x1  }
.Ltmp14:
0x10d: {  	(pc) =	sbr.rel @p2 .LBB2_23-.Ltmp14, $4  }
0x10e: {  	_ = 	snop  }
0x10f: {  	s2 =	sadd.s32 $0x80, s2  }
0x110: {  	s3 =	sand.u32 $0x70, s7;
	s28 =	sand.u32 $0x1C00, s2;
	v0 =	vadd.f32 v1, v0  }
0x111: {  	s7 =	sadd.s32 $0x10, s7;
	s28 =	sor.u32 s3, s28  }
0x112: {  	v1 =	vld [tilespmem:s28+$0x1A000];
	[tilespmem:s1+$0x18000] =	vst v0  }
0x113: {  	v0 =	vld [tilespmem:s28+$0x18000];
	_ =	sdelay $0x4  }
0x114: {  	v0 =	vadd.f32 v1, v0;
	_ =	sdelay $0x1  }
0x115: {  	s1 =	sor.u32 s31, s30;
	[tilespmem:s28+$0x18000] =	vst v0  }
0x116: {  	v0 =	vld [tilespmem:s1+$0x1A080]  }
0x117: {  	v1 =	vld [tilespmem:s1+$0x18080];
	_ =	sdelay $0x3  }
0x118: {  	s2 =	simm.s32 $0x80  }
0x119: {  	s3 =	sand.u32 $0x1C00, s2;
	v0 =	vadd.f32 v0, v1  }
0x11a: {  	s7 =	sor.u32 s3, s0;
	s0 =	simm.s32 $0x20  }
.LBB2_25:
0x11b: {  	p2 =	sne.s32 s0, $0x3F0;
	v1 =	vld [tilespmem:s7+$0x1A080];
	[tilespmem:s1+$0x18080] =	vst v0;
	s1 =	smov.u32 s7  }
0x11c: {  	v0 =	vld [tilespmem:s1+$0x18080];
	_ =	sdelay $0x1  }
.Ltmp15:
0x11d: {  	(pc) =	sbr.rel @p2 .LBB2_25-.Ltmp15, $4  }
0x11e: {  	_ = 	snop  }
0x11f: {  	s2 =	sadd.s32 $0x80, s2  }
0x120: {  	s3 =	sand.u32 $0x70, s0;
	s7 =	sand.u32 $0x1C00, s2;
	v0 =	vadd.f32 v1, v0  }
0x121: {  	s0 =	sadd.s32 $0x10, s0;
	s7 =	sor.u32 s7, s3  }
0x122: {  	v1 =	vld [tilespmem:s7+$0x1A080];
	[tilespmem:s1+$0x18080] =	vst v0  }
0x123: {  	v0 =	vld [tilespmem:s7+$0x18080];
	_ =	sdelay $0x4  }
0x124: {  	s0 =	simm.s32 $0x0;
	v0 =	vadd.f32 v1, v0  }
0x125: {  	s3 =	sand.u32 $0x70, s0;
	s0 =	sand.u32 $0x1C00, s0  }
0x126: {  	s30 =	sor.u32 s0, s3;
	[tilespmem:s7+$0x18080] =	vst v0  }
0x127: {  	v0 =	vld [tilespmem:s30+$0x1A100]  }
0x128: {  	v1 =	vld [tilespmem:s30+$0x18100];
	_ =	sdelay $0x3  }
0x129: {  	s28 =	simm.s32 $0x10;
	s1 =	simm.s32 $0x80  }
0x12a: {  	s2 =	sand.u32 $0x1C00, s1;
	s0 =	sand.u32 $0x70, s28;
	v0 =	vadd.f32 v0, v1  }
0x12b: {  	s31 =	simm.s32 $0x20;
	s7 =	sor.u32 s2, s0;
	s2 =	smov.u32 s30  }
.LBB2_27:
0x12c: {  	p2 =	sne.s32 s31, $0x3F0;
	v1 =	vld [tilespmem:s7+$0x1A100];
	[tilespmem:s2+$0x18100] =	vst v0;
	s2 =	smov.u32 s7  }
0x12d: {  	v0 =	vld [tilespmem:s2+$0x18100];
	_ =	sdelay $0x1  }
.Ltmp16:
0x12e: {  	(pc) =	sbr.rel @p2 .LBB2_27-.Ltmp16, $4  }
0x12f: {  	_ = 	snop  }
0x130: {  	s1 =	sadd.s32 $0x80, s1  }
0x131: {  	s3 =	sand.u32 $0x70, s31;
	s7 =	sand.u32 $0x1C00, s1;
	v0 =	vadd.f32 v1, v0  }
0x132: {  	s31 =	sadd.s32 $0x10, s31;
	s7 =	sor.u32 s7, s3  }
0x133: {  	v1 =	vld [tilespmem:s7+$0x1A100];
	[tilespmem:s2+$0x18100] =	vst v0  }
0x134: {  	v0 =	vld [tilespmem:s7+$0x18100];
	_ =	sdelay $0x4  }
0x135: {  	v0 =	vadd.f32 v1, v0;
	_ =	sdelay $0x1  }
0x136: {  	[tilespmem:s7+$0x18100] =	vst v0  }
0x137: {  	v0 =	vld [tilespmem:s30+$0x1A180]  }
0x138: {  	v1 =	vld [tilespmem:s30+$0x18180];
	_ =	sdelay $0x3  }
0x139: {  	s1 =	simm.s32 $0x80  }
0x13a: {  	s31 =	sand.u32 $0x1C00, s1;
	v0 =	vadd.f32 v0, v1  }
0x13b: {  	s2 =	sor.u32 s31, s0;
	s0 =	simm.s32 $0x20  }
.LBB2_29:
0x13c: {  	p2 =	sne.s32 s0, $0x3F0;
	v1 =	vld [tilespmem:s2+$0x1A180];
	[tilespmem:s30+$0x18180] =	vst v0;
	s30 =	smov.u32 s2  }
0x13d: {  	v0 =	vld [tilespmem:s30+$0x18180];
	_ =	sdelay $0x1  }
.Ltmp17:
0x13e: {  	(pc) =	sbr.rel @p2 .LBB2_29-.Ltmp17, $4  }
0x13f: {  	_ = 	snop  }
0x140: {  	s1 =	sadd.s32 $0x80, s1  }
0x141: {  	s2 =	sand.u32 $0x70, s0;
	s3 =	sand.u32 $0x1C00, s1;
	v0 =	vadd.f32 v1, v0  }
0x142: {  	s0 =	sadd.s32 $0x10, s0;
	s2 =	sor.u32 s3, s2  }
0x143: {  	v1 =	vld [tilespmem:s2+$0x1A180];
	[tilespmem:s30+$0x18180] =	vst v0  }
0x144: {  	v0 =	vld [tilespmem:s2+$0x18180];
	_ =	sdelay $0x4  }
0x145: {  	s0 =	simm.s32 $0x0;
	v0 =	vadd.f32 v1, v0  }
0x146: {  	s1 =	sand.u32 $0x70, s0;
	s0 =	sand.u32 $0x1C00, s0  }
0x147: {  	s30 =	sor.u32 s0, s1;
	[tilespmem:s2+$0x18180] =	vst v0  }
0x148: {  	v0 =	vld [tilespmem:s30+$0x1A200]  }
0x149: {  	v1 =	vld [tilespmem:s30+$0x18200];
	_ =	sdelay $0x3  }
0x14a: {  	s7 =	simm.s32 $0x10;
	s1 =	simm.s32 $0x80  }
0x14b: {  	s0 =	sand.u32 $0x70, s7;
	s28 =	sand.u32 $0x1C00, s1;
	v0 =	vadd.f32 v0, v1  }
0x14c: {  	s31 =	simm.s32 $0x20;
	s7 =	sor.u32 s28, s0;
	s2 =	smov.u32 s30  }
.LBB2_31:
0x14d: {  	p2 =	sne.s32 s31, $0x3F0;
	v1 =	vld [tilespmem:s7+$0x1A200];
	[tilespmem:s2+$0x18200] =	vst v0;
	s2 =	smov.u32 s7  }
0x14e: {  	v0 =	vld [tilespmem:s2+$0x18200];
	_ =	sdelay $0x1  }
.Ltmp18:
0x14f: {  	(pc) =	sbr.rel @p2 .LBB2_31-.Ltmp18, $4  }
0x150: {  	_ = 	snop  }
0x151: {  	s1 =	sadd.s32 $0x80, s1  }
0x152: {  	s3 =	sand.u32 $0x70, s31;
	s7 =	sand.u32 $0x1C00, s1;
	v0 =	vadd.f32 v1, v0  }
0x153: {  	s31 =	sadd.s32 $0x10, s31;
	s7 =	sor.u32 s7, s3  }
0x154: {  	v1 =	vld [tilespmem:s7+$0x1A200];
	[tilespmem:s2+$0x18200] =	vst v0  }
0x155: {  	v0 =	vld [tilespmem:s7+$0x18200];
	_ =	sdelay $0x4  }
0x156: {  	v0 =	vadd.f32 v1, v0;
	_ =	sdelay $0x1  }
0x157: {  	[tilespmem:s7+$0x18200] =	vst v0  }
0x158: {  	v0 =	vld [tilespmem:s30+$0x1A280]  }
0x159: {  	v1 =	vld [tilespmem:s30+$0x18280];
	_ =	sdelay $0x3  }
0x15a: {  	s1 =	simm.s32 $0x80  }
0x15b: {  	s31 =	sand.u32 $0x1C00, s1;
	v0 =	vadd.f32 v0, v1  }
0x15c: {  	s2 =	sor.u32 s31, s0;
	s0 =	simm.s32 $0x20  }
.LBB2_33:
0x15d: {  	p2 =	sne.s32 s0, $0x3F0;
	v1 =	vld [tilespmem:s2+$0x1A280];
	[tilespmem:s30+$0x18280] =	vst v0;
	s30 =	smov.u32 s2  }
0x15e: {  	v0 =	vld [tilespmem:s30+$0x18280];
	_ =	sdelay $0x1  }
.Ltmp19:
0x15f: {  	(pc) =	sbr.rel @p2 .LBB2_33-.Ltmp19, $4  }
0x160: {  	_ = 	snop  }
0x161: {  	s1 =	sadd.s32 $0x80, s1  }
0x162: {  	s2 =	sand.u32 $0x70, s0;
	s3 =	sand.u32 $0x1C00, s1;
	v0 =	vadd.f32 v1, v0  }
0x163: {  	s0 =	sadd.s32 $0x10, s0;
	s2 =	sor.u32 s3, s2  }
0x164: {  	v1 =	vld [tilespmem:s2+$0x1A280];
	[tilespmem:s30+$0x18280] =	vst v0  }
0x165: {  	v0 =	vld [tilespmem:s2+$0x18280];
	_ =	sdelay $0x4  }
0x166: {  	s30 =	simm.s32 $0x0;
	v0 =	vadd.f32 v1, v0  }
0x167: {  	s0 =	sand.u32 $0x70, s30;
	s1 =	sand.u32 $0x1C00, s30  }
0x168: {  	s0 =	sor.u32 s1, s0;
	[tilespmem:s2+$0x18280] =	vst v0  }
0x169: {  	v0 =	vld [tilespmem:s0+$0x1A300]  }
0x16a: {  	v1 =	vld [tilespmem:s0+$0x18300];
	_ =	sdelay $0x3  }
0x16b: {  	s31 =	simm.s32 $0x10;
	s1 =	simm.s32 $0x80  }
0x16c: {  	s28 =	sand.u32 $0x70, s31;
	s3 =	sand.u32 $0x1C00, s1;
	v0 =	vadd.f32 v0, v1  }
0x16d: {  	s7 =	sor.u32 s3, s28;
	s2 =	simm.s32 $0x20  }
.LBB2_35:
0x16e: {  	p2 =	sne.s32 s2, $0x3F0;
	v1 =	vld [tilespmem:s7+$0x1A300];
	[tilespmem:s0+$0x18300] =	vst v0;
	s0 =	smov.u32 s7  }
0x16f: {  	v0 =	vld [tilespmem:s0+$0x18300];
	_ =	sdelay $0x1  }
.Ltmp20:
0x170: {  	(pc) =	sbr.rel @p2 .LBB2_35-.Ltmp20, $4  }
0x171: {  	_ = 	snop  }
0x172: {  	s1 =	sadd.s32 $0x80, s1  }
0x173: {  	s3 =	sand.u32 $0x70, s2;
	s7 =	sand.u32 $0x1C00, s1;
	v0 =	vadd.f32 v1, v0  }
0x174: {  	s2 =	sadd.s32 $0x10, s2;
	s7 =	sor.u32 s7, s3  }
0x175: {  	v1 =	vld [tilespmem:s7+$0x1A300];
	[tilespmem:s0+$0x18300] =	vst v0  }
0x176: {  	v0 =	vld [tilespmem:s7+$0x18300];
	_ =	sdelay $0x4  }
0x177: {  	v0 =	vadd.f32 v1, v0  }
0x178: {  	s30 =	sor.u32 s30, s30  }
0x179: {  	s0 =	sor.u32 $0x380, s30;
	[tilespmem:s7+$0x18300] =	vst v0  }
0x17a: {  	v0 =	vld [tilespmem:s0+$0x1A000]  }
0x17b: {  	v1 =	vld [tilespmem:s0+$0x18000];
	_ =	sdelay $0x3  }
0x17c: {  	s1 =	simm.s32 $0x80  }
0x17d: {  	s2 =	sor.u32 s1, s31;
	v0 =	vadd.f32 v0, v1  }
0x17e: {  	s7 =	sor.u32 $0x380, s2;
	s2 =	simm.s32 $0x20  }
.LBB2_37:
0x17f: {  	p2 =	sne.s32 s2, $0x3F0;
	v1 =	vld [tilespmem:s7+$0x1A000];
	[tilespmem:s0+$0x18000] =	vst v0;
	s0 =	smov.u32 s7  }
0x180: {  	v0 =	vld [tilespmem:s0+$0x18000];
	_ =	sdelay $0x1  }
.Ltmp21:
0x181: {  	(pc) =	sbr.rel @p2 .LBB2_37-.Ltmp21, $4  }
0x182: {  	_ = 	snop  }
0x183: {  	s1 =	sadd.s32 $0x80, s1  }
0x184: {  	s3 =	sor.u32 s1, s2;
	v0 =	vadd.f32 v1, v0  }
0x185: {  	s2 =	sadd.s32 $0x10, s2;
	s7 =	sor.u32 $0x380, s3  }
0x186: {  	v1 =	vld [tilespmem:s7+$0x1A000];
	[tilespmem:s0+$0x18000] =	vst v0  }
0x187: {  	v0 =	vld [tilespmem:s7+$0x18000];
	_ =	sdelay $0x3  }
.Ltmp22:
0x188: {  	_ = 	snop;
	(pc) =	sbr.rel .LBB2_39-.Ltmp22, $3  }
0x189: {  	v0 =	vadd.f32 v1, v0;
	_ =	sdelay $0x1  }
0x18a: {  	[tilespmem:s7+$0x18000] =	vst v0  }
0x18b: {  	[hbm4b:s6+s4] =	stream.linear.scatter [tilespmem:s25], [sflag:$0x3], $0x2000, $0x38;
	[tilespmem:$0x1C000] =	vst v63  }
.LBB2_41:
0x18c: {  	_ =	sfence.sel $0x180000  }
0x18d: {  	[bflag:$0x0] =	sbarrier.arrive $0xFFFF  }
0x18e: {  	_ =	strace $0x90000047  }
0x18f: {  	s0 =	stileid.u32;
	[bflag:$0x2] =	sbarrier.arrive $0xFFFF  }
0x190: {  	p0 =	sne.s32 s0, $0x0;
	s0 =	rddreg [dreg:$0x3]  }
0x191: {  	s0 =	sadd.s32 @!p0 $0x100000, s0  }
0x192: {  	[sflag:s0] =	ssyncadd.tile.s32 @!p0 $0x1;
	_ =	shalt  }
.Lfunc_end2:
_tile_overlayer_lowered:
.L_overlay_start_2:
0x193: {  	(tag) =	ssettag $0x2  }
0x194: {  	s0 =	rddreg [dreg:$0x0];
	s2 =	stileid.u32  }
0x195: {  	s1 =	rddreg [dreg:$0x1];
	p0 =	sne.s32 s2, $0x0  }
0x196: {  	s3 =	rddreg [dreg:$0x2];
	[bflag:$0x3] =	sbarrier.arrive $0xFFFF;
	s2 =	simm.s32 @!p0 $0x1C03  }
0x197: {  	[timem:s3], [sflag:s2] =	dma.local @!p0 [hbm:s0], s1  }
0x198: {  	s0 =	simm.s32 @!p0 $0x3  }
0x199: {  	_ =	swait.ge @!p0 [sflag:s0], s1  }
0x19a: {  	s1 =	ssub.s32 @!p0 $0x0, s1;
	[sflag:s0] =	ssyncset.done @!p0 $0x0  }
0x19b: {  	[sflag:s0] =	ssyncadd.s32 @!p0 s1  }
0x19c: {  	[bflag:$0x3] =	sbarrier.arrive $0xFFFF  }
0x19d: {  	_ =	shalt  }

</sc_bundles>
